<compile_context>
chip_gen: v7x
topology: tpu7x:2x2x1
jax: 0.10.2.dev20260603
libtpu: 0.0.44.dev20260713+nightly
codegen_flags: <defaults>
</compile_context>

<pallas_src>
import numpy as np

import jax
import jax.numpy as jnp
from jax import lax
from jax.experimental import pallas as pl
from jax.experimental.pallas import tpu as pltpu
from jax.experimental.pallas import tpu_sc as plsc

_lipsLowerInner = [78, 95, 88, 178, 87, 14, 317, 402, 318, 324, 308]
_lipsLowerOuter = [146, 91, 181, 84, 17, 314, 405, 321, 375, 291]
_lipsUpperInner = [78, 191, 80, 81, 82, 13, 312, 311, 310, 415, 308]
_lipsUpperOuter = [61, 185, 40, 39, 37, 0, 267, 269, 270, 409, 291]
_LIPS = np.asarray(
    _lipsUpperOuter + _lipsLowerOuter + _lipsUpperInner + _lipsLowerInner,
    dtype=np.int64,
)

_F = 32768
_L = 543
_NW = 32
_FPW = _F // _NW

_LMS = np.concatenate([
    _LIPS,
    np.arange(468, 489),
    np.arange(489, 522),
    np.arange(522, 543),
])

_NEED = np.zeros(_L, dtype=bool)
_NEED[_LMS] = True

_TILES = [int(t) for t in np.unique(_LMS // 8)]
_T_LAST = _TILES[-1]
assert _T_LAST == 67
_REG = _TILES[:-1]
_NREG = len(_REG)

def _tile_mask(t: int) -> int:
    m = 0
    for sl in range(8):
        lm = 8 * t + sl
        if lm < _L and _NEED[lm]:
            m |= 1 << sl
    return m

_ORDER = ([(c, t) for c in range(2) for t in _REG]
          + [(0, _T_LAST), (1, _T_LAST)])
_PACKED = [(8 * t) | (_tile_mask(t) << 10) | (c << 18) for c, t in _ORDER]

_TILE_POS = {t: j for j, t in enumerate(_REG)}

def _feat_rows() -> np.ndarray:
    rows = []
    for lm in _LMS:
        t = int(lm // 8)
        for c in range(2):
            bg = 58 + c if t == _T_LAST else c * _NREG + _TILE_POS[t]
            rows.append(bg * 8 + int(lm % 8))
    return np.asarray(rows, dtype=np.int64)

_ROWS = _feat_rows()

_NB = len(_ORDER)
_DEPTH = 8


def _sel_chain(j, table):
    v = jnp.int32(table[-1])
    for idx in range(len(table) - 2, -1, -1):
        v = jnp.where(j == idx, jnp.int32(table[idx]), v)
    return v


def _sc_body(y_hbm, out_hbm, buf, acc, sems):
    w = lax.axis_index("s") * 2 + lax.axis_index("c")
    f0 = w * _FPW

    def block_info(b):
        p = _sel_chain(b, _PACKED)
        return p >> 18, p & 1023, (p >> 10) & 0xFF

    def fire(b, par):
        c, start, _ = block_info(b)
        start = pl.multiple_of(start, 8)
        src = y_hbm.at[c, pl.ds(start, 8), pl.ds(f0, _FPW)]
        return pltpu.async_copy(src, buf.at[par], sems.at[par])

    def fire7(c, par):
        src = y_hbm.at[c, pl.ds(8 * _T_LAST, 7), pl.ds(f0, _FPW)]
        return pltpu.async_copy(src, buf.at[par, pl.ds(0, 7)], sems.at[par])

    dummy = y_hbm.at[0, pl.ds(0, 8), pl.ds(0, _FPW)]

    def compute(b, par, mask):
        def sl_body(sl, _):
            @pl.when(((mask >> sl) & 1) == 1)
            def _do():
                def lane_body(jj, carry):
                    out = list(carry)
                    for u in range(8):
                        v = buf[par, sl, pl.ds((jj * 8 + u) * 16, 16)]
                        out[u] = out[u] + v
                        out[8 + u] = out[8 + u] + v * v
                    return tuple(out)

                z = jnp.zeros((16,), jnp.float32)
                r = lax.fori_loop(0, _FPW // 128, lane_body, (z,) * 16)
                s = ((r[0] + r[1]) + (r[2] + r[3])) + ((r[4] + r[5]) + (r[6] + r[7]))
                q = ((r[8] + r[9]) + (r[10] + r[11])) + ((r[12] + r[13]) + (r[14] + r[15]))
                acc[b, pl.ds(sl * 16, 16)] = s
                acc[_NB + b, pl.ds(sl * 16, 16)] = q
            return 0

        lax.fori_loop(0, 8, sl_body, 0)

    for par in range(_DEPTH):
        fire(par, par)

    def block_body(b, _):
        u = lax.rem(b, _DEPTH)
        _, _, mask = block_info(b)

        @pl.when(b < _NB - 2)
        def _():
            pltpu.make_async_copy(dummy, buf.at[u], sems.at[u]).wait()

        @pl.when(b >= _NB - 2)
        def _():
            pltpu.make_async_copy(
                y_hbm.at[0, pl.ds(0, 7), pl.ds(0, _FPW)],
                buf.at[u, pl.ds(0, 7)], sems.at[u]).wait()

        compute(b, u, mask)
        nb = b + _DEPTH

        @pl.when(nb < _NB - 2)
        def _():
            fire(nb, u)

        @pl.when((nb >= _NB - 2) & (nb < _NB))
        def _():
            fire7(nb - (_NB - 2), u)
        return 0

    lax.fori_loop(0, _NB, block_body, 0)

    pltpu.sync_copy(acc, out_hbm.at[w])


def kernel(x):
    y = jnp.transpose(x, (2, 1, 0))
    mesh = plsc.VectorSubcoreMesh(core_axis_name="c", subcore_axis_name="s")
    sck = pl.kernel(
        _sc_body,
        out_type=jax.ShapeDtypeStruct((_NW, 2 * _NB, 128), jnp.float32),
        mesh=mesh,
        scratch_types=[
            pltpu.VMEM((_DEPTH, 8, _FPW), jnp.float32),
            pltpu.VMEM((2 * _NB, 128), jnp.float32),
            pltpu.SemaphoreType.DMA((_DEPTH,)),
        ],
        compiler_params=pltpu.CompilerParams(use_tc_tiling_on_sc=True),
    )
    partial = sck(y)

    tot = jnp.sum(partial, axis=0)
    tot = tot.reshape(2 * _NB, 8, 16).sum(-1).reshape(-1)
    s = tot[_ROWS]
    s2 = tot[8 * _NB + _ROWS]
    n = jnp.float32(_F)
    m = s / n
    var = (s2 - n * m * m) / (n - 1.0)
    std = jnp.sqrt(jnp.maximum(var, 0.0))
    out = jnp.concatenate([m, std])
    return jnp.where(jnp.isnan(out), jnp.float32(0.0), out)

# --- scband reference (transcript-rebuilt; emitter-appended) ---
"""Pipeline reference for scband-feature-gen-16767552324048 (READ-ONLY COPY).

The authoritative reference and input builder live on the scoring server;
editing this copy changes nothing except your own understanding.
"""

import jax, jax.numpy as jnp
import numpy as np

lipsLowerInner = [78, 95, 88, 178, 87, 14, 317, 402, 318, 324, 308]
lipsLowerOuter = [146, 91, 181, 84, 17, 314, 405, 321, 375, 291]
lipsUpperInner = [78, 191, 80, 81, 82, 13, 312, 311, 310, 415, 308]
lipsUpperOuter = [61, 185, 40, 39, 37, 0, 267, 269, 270, 409, 291]
LIPS = jnp.asarray(lipsUpperOuter + lipsLowerOuter + lipsUpperInner + lipsLowerInner, dtype=jnp.int32)


def setup_inputs(seed: int = 0) -> dict:
    key = jax.random.key(seed)
    x = jax.random.normal(key, (32768, 543, 3), dtype=jnp.float32)
    return {"x": x}


def _masked_mean_std(v):
    # equivalent to dropping NaN rows then mean/std(unbiased), expressed without
    # data-dependent shapes (mask-weighted reduction)
    mask = jnp.logical_not(jnp.any(jnp.isnan(v), axis=1))
    w = mask.astype(jnp.float32)[:, None]
    n = jnp.sum(w)
    vz = jnp.where(w > 0, v, 0.0)
    m = jnp.sum(vz, axis=0) / n
    var = jnp.sum(jnp.where(w > 0, (v - m) ** 2, 0.0), axis=0) / (n - 1.0)
    return m, jnp.sqrt(var)


def reference(x):
    x = x[:, :, :2]
    lips_x = jnp.take(x, LIPS, axis=1).reshape(-1, 43 * 2)
    lefth_x = x[:, 468:489, :].reshape(-1, 21 * 2)
    pose_x = x[:, 489:522, :].reshape(-1, 33 * 2)
    righth_x = x[:, 522:, :].reshape(-1, 21 * 2)

    x1m = jnp.mean(lips_x, axis=0)
    x3m = jnp.mean(pose_x, axis=0)
    x1s = jnp.std(lips_x, axis=0, ddof=1)
    x3s = jnp.std(pose_x, axis=0, ddof=1)

    x2m, x2s = _masked_mean_std(lefth_x)
    x4m, x4s = _masked_mean_std(righth_x)

    xfeat = jnp.concatenate([x1m, x2m, x3m, x4m, x1s, x2s, x3s, x4s], axis=0)
    xfeat = jnp.where(jnp.isnan(xfeat), jnp.float32(0.0), xfeat)
    return xfeat

if __name__ == "__main__":
    import jax
    _d = setup_inputs()
    print(jax.jit(kernel)(*tuple(_d.values())))

</pallas_src>

<mosaic_0001>
#map = affine_map<(d0, d1) -> (0, 0, 0)>
module attributes {stable_mosaic.version = 14 : i64} {
  func.func @_sc_body(%arg0: i32, %arg1: i32, %arg2: memref<3x543x32768xf32, #tpu.memory_space<hbm>>, %arg3: memref<32x120x128xf32, #tpu.memory_space<hbm>>, %arg4: memref<8x8x1024xf32, #tpu.memory_space<vmem>>, %arg5: memref<120x128xf32, #tpu.memory_space<vmem>>, %arg6: memref<8x!tpu.dma_semaphore, #tpu.memory_space<semaphore_mem>>) attributes {dimension_semantics = [#tpu.dimension_semantics<core_parallel>, #tpu.dimension_semantics<subcore_parallel>], iteration_bounds = array<i64: 2, 16>, scalar_prefetch = 0 : i64, scratch_operands = 3 : i64, tpu.core_type = #tpu.core_type<sc_vector_subcore>, window_params = [{transform_indices = #map}, {transform_indices = #map}]} {
    %mul3A = arith.constant 2 : i32
    %mul3A_0 = arith.muli %arg1, %mul3A : i32
    %add3A = arith.addi %mul3A_0, %arg0 : i32
    %mul3A_1 = arith.constant 1024 : i32
    %mul3A_2 = arith.muli %add3A, %mul3A_1 : i32
    %jit3A = arith.constant false
    %jit3A_3 = arith.constant 130584 : i32
    %jit3A_4 = arith.constant 392728 : i32
    %select_n3A = arith.select %jit3A, %jit3A_3, %jit3A_4 : i32
    %jit3A_5 = arith.constant false
    %jit3A_6 = arith.constant 523792 : i32
    %select_n3A_7 = arith.select %jit3A_5, %jit3A_6, %select_n3A : i32
    %jit3A_8 = arith.constant false
    %jit3A_9 = arith.constant 523784 : i32
    %select_n3A_10 = arith.select %jit3A_8, %jit3A_9, %select_n3A_7 : i32
    %jit3A_11 = arith.constant false
    %jit3A_12 = arith.constant 523776 : i32
    %select_n3A_13 = arith.select %jit3A_11, %jit3A_12, %select_n3A_10 : i32
    %jit3A_14 = arith.constant false
    %jit3A_15 = arith.constant 523768 : i32
    %select_n3A_16 = arith.select %jit3A_14, %jit3A_15, %select_n3A_13 : i32
    %jit3A_17 = arith.constant false
    %jit3A_18 = arith.constant 523760 : i32
    %select_n3A_19 = arith.select %jit3A_17, %jit3A_18, %select_n3A_16 : i32
    %jit3A_20 = arith.constant false
    %jit3A_21 = arith.constant 523752 : i32
    %select_n3A_22 = arith.select %jit3A_20, %jit3A_21, %select_n3A_19 : i32
    %jit3A_23 = arith.constant false
    %jit3A_24 = arith.constant 523744 : i32
    %select_n3A_25 = arith.select %jit3A_23, %jit3A_24, %select_n3A_22 : i32
    %jit3A_26 = arith.constant false
    %jit3A_27 = arith.constant 523736 : i32
    %select_n3A_28 = arith.select %jit3A_26, %jit3A_27, %select_n3A_25 : i32
    %jit3A_29 = arith.constant false
    %jit3A_30 = arith.constant 508368 : i32
    %select_n3A_31 = arith.select %jit3A_29, %jit3A_30, %select_n3A_28 : i32
    %jit3A_32 = arith.constant false
    %jit3A_33 = arith.constant 395672 : i32
    %select_n3A_34 = arith.select %jit3A_32, %jit3A_33, %select_n3A_31 : i32
    %jit3A_35 = arith.constant false
    %jit3A_36 = arith.constant 299408 : i32
    %select_n3A_37 = arith.select %jit3A_35, %jit3A_36, %select_n3A_34 : i32
    %jit3A_38 = arith.constant false
    %jit3A_39 = arith.constant 393584 : i32
    %select_n3A_40 = arith.select %jit3A_38, %jit3A_39, %select_n3A_37 : i32
    %jit3A_41 = arith.constant false
    %jit3A_42 = arith.constant 280896 : i32
    %select_n3A_43 = arith.select %jit3A_41, %jit3A_42, %select_n3A_40 : i32
    %jit3A_44 = arith.constant false
    %jit3A_45 = arith.constant 365880 : i32
    %select_n3A_46 = arith.select %jit3A_44, %jit3A_45, %select_n3A_43 : i32
    %jit3A_47 = arith.constant false
    %jit3A_48 = arith.constant 475440 : i32
    %select_n3A_49 = arith.select %jit3A_47, %jit3A_48, %select_n3A_46 : i32
    %jit3A_50 = arith.constant false
    %jit3A_51 = arith.constant 270624 : i32
    %select_n3A_52 = arith.select %jit3A_50, %jit3A_51, %select_n3A_49 : i32
    %jit3A_53 = arith.constant false
    %jit3A_54 = arith.constant 368904 : i32
    %select_n3A_55 = arith.select %jit3A_53, %jit3A_54, %select_n3A_52 : i32
    %jit3A_56 = arith.constant false
    %jit3A_57 = arith.constant 395448 : i32
    %select_n3A_58 = arith.select %jit3A_56, %jit3A_57, %select_n3A_55 : i32
    %jit3A_59 = arith.constant false
    %jit3A_60 = arith.constant 299184 : i32
    %select_n3A_61 = arith.select %jit3A_59, %jit3A_60, %select_n3A_58 : i32
    %jit3A_62 = arith.constant false
    %jit3A_63 = arith.constant 266384 : i32
    %select_n3A_64 = arith.select %jit3A_62, %jit3A_63, %select_n3A_61 : i32
    %jit3A_65 = arith.constant false
    %jit3A_66 = arith.constant 402520 : i32
    %select_n3A_67 = arith.select %jit3A_65, %jit3A_66, %select_n3A_64 : i32
    %jit3A_68 = arith.constant false
    %jit3A_69 = arith.constant 416848 : i32
    %select_n3A_70 = arith.select %jit3A_68, %jit3A_69, %select_n3A_67 : i32
    %jit3A_71 = arith.constant false
    %jit3A_72 = arith.constant 327752 : i32
    %select_n3A_73 = arith.select %jit3A_71, %jit3A_72, %select_n3A_70 : i32
    %jit3A_74 = arith.constant false
    %jit3A_75 = arith.constant 294968 : i32
    %select_n3A_76 = arith.select %jit3A_74, %jit3A_75, %select_n3A_73 : i32
    %jit3A_77 = arith.constant false
    %jit3A_78 = arith.constant 263208 : i32
    %select_n3A_79 = arith.select %jit3A_77, %jit3A_78, %select_n3A_76 : i32
    %jit3A_80 = arith.constant false
    %jit3A_81 = arith.constant 426016 : i32
    %select_n3A_82 = arith.select %jit3A_80, %jit3A_81, %select_n3A_79 : i32
    %jit3A_83 = arith.constant false
    %jit3A_84 = arith.constant 264208 : i32
    %select_n3A_85 = arith.select %jit3A_83, %jit3A_84, %select_n3A_82 : i32
    %jit3A_86 = arith.constant false
    %jit3A_87 = arith.constant 360456 : i32
    %select_n3A_88 = arith.select %jit3A_86, %jit3A_87, %select_n3A_85 : i32
    %jit3A_89 = arith.constant false
    %jit3A_90 = arith.constant 263168 : i32
    %select_n3A_91 = arith.select %jit3A_89, %jit3A_90, %select_n3A_88 : i32
    %jit3A_92 = arith.constant false
    %jit3A_93 = arith.constant 261648 : i32
    %select_n3A_94 = arith.select %jit3A_92, %jit3A_93, %select_n3A_91 : i32
    %jit3A_95 = arith.constant false
    %jit3A_96 = arith.constant 261640 : i32
    %select_n3A_97 = arith.select %jit3A_95, %jit3A_96, %select_n3A_94 : i32
    %jit3A_98 = arith.constant false
    %jit3A_99 = arith.constant 261632 : i32
    %select_n3A_100 = arith.select %jit3A_98, %jit3A_99, %select_n3A_97 : i32
    %jit3A_101 = arith.constant false
    %jit3A_102 = arith.constant 261624 : i32
    %select_n3A_103 = arith.select %jit3A_101, %jit3A_102, %select_n3A_100 : i32
    %jit3A_104 = arith.constant false
    %jit3A_105 = arith.constant 261616 : i32
    %select_n3A_106 = arith.select %jit3A_104, %jit3A_105, %select_n3A_103 : i32
    %jit3A_107 = arith.constant false
    %jit3A_108 = arith.constant 261608 : i32
    %select_n3A_109 = arith.select %jit3A_107, %jit3A_108, %select_n3A_106 : i32
    %jit3A_110 = arith.constant false
    %jit3A_111 = arith.constant 261600 : i32
    %select_n3A_112 = arith.select %jit3A_110, %jit3A_111, %select_n3A_109 : i32
    %jit3A_113 = arith.constant false
    %jit3A_114 = arith.constant 261592 : i32
    %select_n3A_115 = arith.select %jit3A_113, %jit3A_114, %select_n3A_112 : i32
    %jit3A_116 = arith.constant false
    %jit3A_117 = arith.constant 246224 : i32
    %select_n3A_118 = arith.select %jit3A_116, %jit3A_117, %select_n3A_115 : i32
    %jit3A_119 = arith.constant false
    %jit3A_120 = arith.constant 133528 : i32
    %select_n3A_121 = arith.select %jit3A_119, %jit3A_120, %select_n3A_118 : i32
    %jit3A_122 = arith.constant false
    %jit3A_123 = arith.constant 37264 : i32
    %select_n3A_124 = arith.select %jit3A_122, %jit3A_123, %select_n3A_121 : i32
    %jit3A_125 = arith.constant false
    %jit3A_126 = arith.constant 131440 : i32
    %select_n3A_127 = arith.select %jit3A_125, %jit3A_126, %select_n3A_124 : i32
    %jit3A_128 = arith.constant false
    %jit3A_129 = arith.constant 18752 : i32
    %select_n3A_130 = arith.select %jit3A_128, %jit3A_129, %select_n3A_127 : i32
    %jit3A_131 = arith.constant false
    %jit3A_132 = arith.constant 103736 : i32
    %select_n3A_133 = arith.select %jit3A_131, %jit3A_132, %select_n3A_130 : i32
    %jit3A_134 = arith.constant false
    %jit3A_135 = arith.constant 213296 : i32
    %select_n3A_136 = arith.select %jit3A_134, %jit3A_135, %select_n3A_133 : i32
    %jit3A_137 = arith.constant false
    %jit3A_138 = arith.constant 8480 : i32
    %select_n3A_139 = arith.select %jit3A_137, %jit3A_138, %select_n3A_136 : i32
    %jit3A_140 = arith.constant false
    %jit3A_141 = arith.constant 106760 : i32
    %select_n3A_142 = arith.select %jit3A_140, %jit3A_141, %select_n3A_139 : i32
    %jit3A_143 = arith.constant false
    %jit3A_144 = arith.constant 133304 : i32
    %select_n3A_145 = arith.select %jit3A_143, %jit3A_144, %select_n3A_142 : i32
    %jit3A_146 = arith.constant false
    %jit3A_147 = arith.constant 37040 : i32
    %select_n3A_148 = arith.select %jit3A_146, %jit3A_147, %select_n3A_145 : i32
    %jit3A_149 = arith.constant false
    %jit3A_150 = arith.constant 4240 : i32
    %select_n3A_151 = arith.select %jit3A_149, %jit3A_150, %select_n3A_148 : i32
    %jit3A_152 = arith.constant false
    %jit3A_153 = arith.constant 140376 : i32
    %select_n3A_154 = arith.select %jit3A_152, %jit3A_153, %select_n3A_151 : i32
    %jit3A_155 = arith.constant false
    %jit3A_156 = arith.constant 154704 : i32
    %select_n3A_157 = arith.select %jit3A_155, %jit3A_156, %select_n3A_154 : i32
    %jit3A_158 = arith.constant false
    %jit3A_159 = arith.constant 65608 : i32
    %select_n3A_160 = arith.select %jit3A_158, %jit3A_159, %select_n3A_157 : i32
    %jit3A_161 = arith.constant false
    %jit3A_162 = arith.constant 32824 : i32
    %select_n3A_163 = arith.select %jit3A_161, %jit3A_162, %select_n3A_160 : i32
    %jit3A_164 = arith.constant false
    %jit3A_165 = arith.constant 1064 : i32
    %select_n3A_166 = arith.select %jit3A_164, %jit3A_165, %select_n3A_163 : i32
    %jit3A_167 = arith.constant false
    %jit3A_168 = arith.constant 163872 : i32
    %select_n3A_169 = arith.select %jit3A_167, %jit3A_168, %select_n3A_166 : i32
    %jit3A_170 = arith.constant false
    %jit3A_171 = arith.constant 2064 : i32
    %select_n3A_172 = arith.select %jit3A_170, %jit3A_171, %select_n3A_169 : i32
    %jit3A_173 = arith.constant false
    %jit3A_174 = arith.constant 98312 : i32
    %select_n3A_175 = arith.select %jit3A_173, %jit3A_174, %select_n3A_172 : i32
    %jit3A_176 = arith.constant true
    %jit3A_177 = arith.constant 1024 : i32
    %select_n3A_178 = arith.select %jit3A_176, %jit3A_177, %select_n3A_175 : i32
    %shift_right_arithmetic3A = arith.constant 18 : i32
    %shift_right_arithmetic3A_179 = arith.shrsi %select_n3A_178, %shift_right_arithmetic3A : i32
    %and3A = arith.constant 1023 : i32
    %and3A_180 = arith.andi %select_n3A_178, %and3A : i32
    %shift_right_arithmetic3A_181 = arith.constant 10 : i32
    %shift_right_arithmetic3A_182 = arith.shrsi %select_n3A_178, %shift_right_arithmetic3A_181 : i32
    %and3A_183 = arith.constant 255 : i32
    %and3A_184 = arith.andi %shift_right_arithmetic3A_182, %and3A_183 : i32
    %multiple_of3A = tpu.assume_multiple %and3A_180, 8 : i32
    %dma_start3A = arith.constant 0 : i32
    %dma_start3A_185 = arith.constant 0 : i32
    %dma_start3A_186 = arith.constant 0 : i32
    %dma_start3A_187 = arith.constant 0 : i32
    %dma_start3A_188 = tpu.memref_slice %arg4[%dma_start3A, %dma_start3A_186, %dma_start3A_187] : memref<8x8x1024xf32, #tpu.memory_space<vmem>> -> memref<1x8x1024xf32, #tpu.memory_space<vmem>>
    %dma_start3A_189 = tpu.memref_squeeze %dma_start3A_188 : memref<1x8x1024xf32, #tpu.memory_space<vmem>> -> memref<8x1024xf32, #tpu.memory_space<vmem>>
    %dma_start3A_190 = tpu.memref_slice %arg2[%shift_right_arithmetic3A_179, %multiple_of3A, %mul3A_2] : memref<3x543x32768xf32, #tpu.memory_space<hbm>> -> memref<1x8x1024xf32, #tpu.memory_space<hbm>>
    %dma_start3A_191 = tpu.memref_squeeze %dma_start3A_190 : memref<1x8x1024xf32, #tpu.memory_space<hbm>> -> memref<8x1024xf32, #tpu.memory_space<hbm>>
    %dma_start3A_192 = tpu.memref_slice %arg6[%dma_start3A_185] : memref<8x!tpu.dma_semaphore, #tpu.memory_space<semaphore_mem>> -> memref<1x!tpu.dma_semaphore, #tpu.memory_space<semaphore_mem>>
    %dma_start3A_193 = tpu.memref_squeeze %dma_start3A_192 : memref<1x!tpu.dma_semaphore, #tpu.memory_space<semaphore_mem>> -> memref<!tpu.dma_semaphore, #tpu.memory_space<semaphore_mem>>
    %dma_start3A_194 = arith.constant 0 : i32
    %dma_start3A_195 = arith.constant 0 : i32
    %dma_start3A_196 = tpu.memref_slice %arg4[%dma_start3A, %dma_start3A_194, %dma_start3A_195] : memref<8x8x1024xf32, #tpu.memory_space<vmem>> -> memref<1x8x1024xf32, #tpu.memory_space<vmem>>
    %dma_start3A_197 = tpu.memref_squeeze %dma_start3A_196 : memref<1x8x1024xf32, #tpu.memory_space<vmem>> -> memref<8x1024xf32, #tpu.memory_space<vmem>>
    %dma_start3A_198 = tpu.memref_slice %arg2[%shift_right_arithmetic3A_179, %multiple_of3A, %mul3A_2] : memref<3x543x32768xf32, #tpu.memory_space<hbm>> -> memref<1x8x1024xf32, #tpu.memory_space<hbm>>
    %dma_start3A_199 = tpu.memref_squeeze %dma_start3A_198 : memref<1x8x1024xf32, #tpu.memory_space<hbm>> -> memref<8x1024xf32, #tpu.memory_space<hbm>>
    tpu.enqueue_dma source(%dma_start3A_199 : memref<8x1024xf32, #tpu.memory_space<hbm>>) target(%dma_start3A_197 : memref<8x1024xf32, #tpu.memory_space<vmem>>) target_semaphore(%dma_start3A_193 : memref<!tpu.dma_semaphore, #tpu.memory_space<semaphore_mem>>)
    %jit3A_200 = arith.constant false
    %jit3A_201 = arith.constant 130584 : i32
    %jit3A_202 = arith.constant 392728 : i32
    %select_n3A_203 = arith.select %jit3A_200, %jit3A_201, %jit3A_202 : i32
    %jit3A_204 = arith.constant false
    %jit3A_205 = arith.constant 523792 : i32
    %select_n3A_206 = arith.select %jit3A_204, %jit3A_205, %select_n3A_203 : i32
    %jit3A_207 = arith.constant false
    %jit3A_208 = arith.constant 523784 : i32
    %select_n3A_209 = arith.select %jit3A_207, %jit3A_208, %select_n3A_206 : i32
    %jit3A_210 = arith.constant false
    %jit3A_211 = arith.constant 523776 : i32
    %select_n3A_212 = arith.select %jit3A_210, %jit3A_211, %select_n3A_209 : i32
    %jit3A_213 = arith.constant false
    %jit3A_214 = arith.constant 523768 : i32
    %select_n3A_215 = arith.select %jit3A_213, %jit3A_214, %select_n3A_212 : i32
    %jit3A_216 = arith.constant false
    %jit3A_217 = arith.constant 523760 : i32
    %select_n3A_218 = arith.select %jit3A_216, %jit3A_217, %select_n3A_215 : i32
    %jit3A_219 = arith.constant false
    %jit3A_220 = arith.constant 523752 : i32
    %select_n3A_221 = arith.select %jit3A_219, %jit3A_220, %select_n3A_218 : i32
    %jit3A_222 = arith.constant false
    %jit3A_223 = arith.constant 523744 : i32
    %select_n3A_224 = arith.select %jit3A_222, %jit3A_223, %select_n3A_221 : i32
    %jit3A_225 = arith.constant false
    %jit3A_226 = arith.constant 523736 : i32
    %select_n3A_227 = arith.select %jit3A_225, %jit3A_226, %select_n3A_224 : i32
    %jit3A_228 = arith.constant false
    %jit3A_229 = arith.constant 508368 : i32
    %select_n3A_230 = arith.select %jit3A_228, %jit3A_229, %select_n3A_227 : i32
    %jit3A_231 = arith.constant false
    %jit3A_232 = arith.constant 395672 : i32
    %select_n3A_233 = arith.select %jit3A_231, %jit3A_232, %select_n3A_230 : i32
    %jit3A_234 = arith.constant false
    %jit3A_235 = arith.constant 299408 : i32
    %select_n3A_236 = arith.select %jit3A_234, %jit3A_235, %select_n3A_233 : i32
    %jit3A_237 = arith.constant false
    %jit3A_238 = arith.constant 393584 : i32
    %select_n3A_239 = arith.select %jit3A_237, %jit3A_238, %select_n3A_236 : i32
    %jit3A_240 = arith.constant false
    %jit3A_241 = arith.constant 280896 : i32
    %select_n3A_242 = arith.select %jit3A_240, %jit3A_241, %select_n3A_239 : i32
    %jit3A_243 = arith.constant false
    %jit3A_244 = arith.constant 365880 : i32
    %select_n3A_245 = arith.select %jit3A_243, %jit3A_244, %select_n3A_242 : i32
    %jit3A_246 = arith.constant false
    %jit3A_247 = arith.constant 475440 : i32
    %select_n3A_248 = arith.select %jit3A_246, %jit3A_247, %select_n3A_245 : i32
    %jit3A_249 = arith.constant false
    %jit3A_250 = arith.constant 270624 : i32
    %select_n3A_251 = arith.select %jit3A_249, %jit3A_250, %select_n3A_248 : i32
    %jit3A_252 = arith.constant false
    %jit3A_253 = arith.constant 368904 : i32
    %select_n3A_254 = arith.select %jit3A_252, %jit3A_253, %select_n3A_251 : i32
    %jit3A_255 = arith.constant false
    %jit3A_256 = arith.constant 395448 : i32
    %select_n3A_257 = arith.select %jit3A_255, %jit3A_256, %select_n3A_254 : i32
    %jit3A_258 = arith.constant false
    %jit3A_259 = arith.constant 299184 : i32
    %select_n3A_260 = arith.select %jit3A_258, %jit3A_259, %select_n3A_257 : i32
    %jit3A_261 = arith.constant false
    %jit3A_262 = arith.constant 266384 : i32
    %select_n3A_263 = arith.select %jit3A_261, %jit3A_262, %select_n3A_260 : i32
    %jit3A_264 = arith.constant false
    %jit3A_265 = arith.constant 402520 : i32
    %select_n3A_266 = arith.select %jit3A_264, %jit3A_265, %select_n3A_263 : i32
    %jit3A_267 = arith.constant false
    %jit3A_268 = arith.constant 416848 : i32
    %select_n3A_269 = arith.select %jit3A_267, %jit3A_268, %select_n3A_266 : i32
    %jit3A_270 = arith.constant false
    %jit3A_271 = arith.constant 327752 : i32
    %select_n3A_272 = arith.select %jit3A_270, %jit3A_271, %select_n3A_269 : i32
    %jit3A_273 = arith.constant false
    %jit3A_274 = arith.constant 294968 : i32
    %select_n3A_275 = arith.select %jit3A_273, %jit3A_274, %select_n3A_272 : i32
    %jit3A_276 = arith.constant false
    %jit3A_277 = arith.constant 263208 : i32
    %select_n3A_278 = arith.select %jit3A_276, %jit3A_277, %select_n3A_275 : i32
    %jit3A_279 = arith.constant false
    %jit3A_280 = arith.constant 426016 : i32
    %select_n3A_281 = arith.select %jit3A_279, %jit3A_280, %select_n3A_278 : i32
    %jit3A_282 = arith.constant false
    %jit3A_283 = arith.constant 264208 : i32
    %select_n3A_284 = arith.select %jit3A_282, %jit3A_283, %select_n3A_281 : i32
    %jit3A_285 = arith.constant false
    %jit3A_286 = arith.constant 360456 : i32
    %select_n3A_287 = arith.select %jit3A_285, %jit3A_286, %select_n3A_284 : i32
    %jit3A_288 = arith.constant false
    %jit3A_289 = arith.constant 263168 : i32
    %select_n3A_290 = arith.select %jit3A_288, %jit3A_289, %select_n3A_287 : i32
    %jit3A_291 = arith.constant false
    %jit3A_292 = arith.constant 261648 : i32
    %select_n3A_293 = arith.select %jit3A_291, %jit3A_292, %select_n3A_290 : i32
    %jit3A_294 = arith.constant false
    %jit3A_295 = arith.constant 261640 : i32
    %select_n3A_296 = arith.select %jit3A_294, %jit3A_295, %select_n3A_293 : i32
    %jit3A_297 = arith.constant false
    %jit3A_298 = arith.constant 261632 : i32
    %select_n3A_299 = arith.select %jit3A_297, %jit3A_298, %select_n3A_296 : i32
    %jit3A_300 = arith.constant false
    %jit3A_301 = arith.constant 261624 : i32
    %select_n3A_302 = arith.select %jit3A_300, %jit3A_301, %select_n3A_299 : i32
    %jit3A_303 = arith.constant false
    %jit3A_304 = arith.constant 261616 : i32
    %select_n3A_305 = arith.select %jit3A_303, %jit3A_304, %select_n3A_302 : i32
    %jit3A_306 = arith.constant false
    %jit3A_307 = arith.constant 261608 : i32
    %select_n3A_308 = arith.select %jit3A_306, %jit3A_307, %select_n3A_305 : i32
    %jit3A_309 = arith.constant false
    %jit3A_310 = arith.constant 261600 : i32
    %select_n3A_311 = arith.select %jit3A_309, %jit3A_310, %select_n3A_308 : i32
    %jit3A_312 = arith.constant false
    %jit3A_313 = arith.constant 261592 : i32
    %select_n3A_314 = arith.select %jit3A_312, %jit3A_313, %select_n3A_311 : i32
    %jit3A_315 = arith.constant false
    %jit3A_316 = arith.constant 246224 : i32
    %select_n3A_317 = arith.select %jit3A_315, %jit3A_316, %select_n3A_314 : i32
    %jit3A_318 = arith.constant false
    %jit3A_319 = arith.constant 133528 : i32
    %select_n3A_320 = arith.select %jit3A_318, %jit3A_319, %select_n3A_317 : i32
    %jit3A_321 = arith.constant false
    %jit3A_322 = arith.constant 37264 : i32
    %select_n3A_323 = arith.select %jit3A_321, %jit3A_322, %select_n3A_320 : i32
    %jit3A_324 = arith.constant false
    %jit3A_325 = arith.constant 131440 : i32
    %select_n3A_326 = arith.select %jit3A_324, %jit3A_325, %select_n3A_323 : i32
    %jit3A_327 = arith.constant false
    %jit3A_328 = arith.constant 18752 : i32
    %select_n3A_329 = arith.select %jit3A_327, %jit3A_328, %select_n3A_326 : i32
    %jit3A_330 = arith.constant false
    %jit3A_331 = arith.constant 103736 : i32
    %select_n3A_332 = arith.select %jit3A_330, %jit3A_331, %select_n3A_329 : i32
    %jit3A_333 = arith.constant false
    %jit3A_334 = arith.constant 213296 : i32
    %select_n3A_335 = arith.select %jit3A_333, %jit3A_334, %select_n3A_332 : i32
    %jit3A_336 = arith.constant false
    %jit3A_337 = arith.constant 8480 : i32
    %select_n3A_338 = arith.select %jit3A_336, %jit3A_337, %select_n3A_335 : i32
    %jit3A_339 = arith.constant false
    %jit3A_340 = arith.constant 106760 : i32
    %select_n3A_341 = arith.select %jit3A_339, %jit3A_340, %select_n3A_338 : i32
    %jit3A_342 = arith.constant false
    %jit3A_343 = arith.constant 133304 : i32
    %select_n3A_344 = arith.select %jit3A_342, %jit3A_343, %select_n3A_341 : i32
    %jit3A_345 = arith.constant false
    %jit3A_346 = arith.constant 37040 : i32
    %select_n3A_347 = arith.select %jit3A_345, %jit3A_346, %select_n3A_344 : i32
    %jit3A_348 = arith.constant false
    %jit3A_349 = arith.constant 4240 : i32
    %select_n3A_350 = arith.select %jit3A_348, %jit3A_349, %select_n3A_347 : i32
    %jit3A_351 = arith.constant false
    %jit3A_352 = arith.constant 140376 : i32
    %select_n3A_353 = arith.select %jit3A_351, %jit3A_352, %select_n3A_350 : i32
    %jit3A_354 = arith.constant false
    %jit3A_355 = arith.constant 154704 : i32
    %select_n3A_356 = arith.select %jit3A_354, %jit3A_355, %select_n3A_353 : i32
    %jit3A_357 = arith.constant false
    %jit3A_358 = arith.constant 65608 : i32
    %select_n3A_359 = arith.select %jit3A_357, %jit3A_358, %select_n3A_356 : i32
    %jit3A_360 = arith.constant false
    %jit3A_361 = arith.constant 32824 : i32
    %select_n3A_362 = arith.select %jit3A_360, %jit3A_361, %select_n3A_359 : i32
    %jit3A_363 = arith.constant false
    %jit3A_364 = arith.constant 1064 : i32
    %select_n3A_365 = arith.select %jit3A_363, %jit3A_364, %select_n3A_362 : i32
    %jit3A_366 = arith.constant false
    %jit3A_367 = arith.constant 163872 : i32
    %select_n3A_368 = arith.select %jit3A_366, %jit3A_367, %select_n3A_365 : i32
    %jit3A_369 = arith.constant false
    %jit3A_370 = arith.constant 2064 : i32
    %select_n3A_371 = arith.select %jit3A_369, %jit3A_370, %select_n3A_368 : i32
    %jit3A_372 = arith.constant true
    %jit3A_373 = arith.constant 98312 : i32
    %select_n3A_374 = arith.select %jit3A_372, %jit3A_373, %select_n3A_371 : i32
    %jit3A_375 = arith.constant false
    %jit3A_376 = arith.constant 1024 : i32
    %select_n3A_377 = arith.select %jit3A_375, %jit3A_376, %select_n3A_374 : i32
    %shift_right_arithmetic3A_378 = arith.constant 18 : i32
    %shift_right_arithmetic3A_379 = arith.shrsi %select_n3A_377, %shift_right_arithmetic3A_378 : i32
    %and3A_380 = arith.constant 1023 : i32
    %and3A_381 = arith.andi %select_n3A_377, %and3A_380 : i32
    %shift_right_arithmetic3A_382 = arith.constant 10 : i32
    %shift_right_arithmetic3A_383 = arith.shrsi %select_n3A_377, %shift_right_arithmetic3A_382 : i32
    %and3A_384 = arith.constant 255 : i32
    %and3A_385 = arith.andi %shift_right_arithmetic3A_383, %and3A_384 : i32
    %multiple_of3A_386 = tpu.assume_multiple %and3A_381, 8 : i32
    %dma_start3A_387 = arith.constant 1 : i32
    %dma_start3A_388 = arith.constant 1 : i32
    %dma_start3A_389 = arith.constant 0 : i32
    %dma_start3A_390 = arith.constant 0 : i32
    %dma_start3A_391 = tpu.memref_slice %arg4[%dma_start3A_387, %dma_start3A_389, %dma_start3A_390] : memref<8x8x1024xf32, #tpu.memory_space<vmem>> -> memref<1x8x1024xf32, #tpu.memory_space<vmem>>
    %dma_start3A_392 = tpu.memref_squeeze %dma_start3A_391 : memref<1x8x1024xf32, #tpu.memory_space<vmem>> -> memref<8x1024xf32, #tpu.memory_space<vmem>>
    %dma_start3A_393 = tpu.memref_slice %arg2[%shift_right_arithmetic3A_379, %multiple_of3A_386, %mul3A_2] : memref<3x543x32768xf32, #tpu.memory_space<hbm>> -> memref<1x8x1024xf32, #tpu.memory_space<hbm>>
    %dma_start3A_394 = tpu.memref_squeeze %dma_start3A_393 : memref<1x8x1024xf32, #tpu.memory_space<hbm>> -> memref<8x1024xf32, #tpu.memory_space<hbm>>
    %dma_start3A_395 = tpu.memref_slice %arg6[%dma_start3A_388] : memref<8x!tpu.dma_semaphore, #tpu.memory_space<semaphore_mem>> -> memref<1x!tpu.dma_semaphore, #tpu.memory_space<semaphore_mem>>
    %dma_start3A_396 = tpu.memref_squeeze %dma_start3A_395 : memref<1x!tpu.dma_semaphore, #tpu.memory_space<semaphore_mem>> -> memref<!tpu.dma_semaphore, #tpu.memory_space<semaphore_mem>>
    %dma_start3A_397 = arith.constant 0 : i32
    %dma_start3A_398 = arith.constant 0 : i32
    %dma_start3A_399 = tpu.memref_slice %arg4[%dma_start3A_387, %dma_start3A_397, %dma_start3A_398] : memref<8x8x1024xf32, #tpu.memory_space<vmem>> -> memref<1x8x1024xf32, #tpu.memory_space<vmem>>
    %dma_start3A_400 = tpu.memref_squeeze %dma_start3A_399 : memref<1x8x1024xf32, #tpu.memory_space<vmem>> -> memref<8x1024xf32, #tpu.memory_space<vmem>>
    %dma_start3A_401 = tpu.memref_slice %arg2[%shift_right_arithmetic3A_379, %multiple_of3A_386, %mul3A_2] : memref<3x543x32768xf32, #tpu.memory_space<hbm>> -> memref<1x8x1024xf32, #tpu.memory_space<hbm>>
    %dma_start3A_402 = tpu.memref_squeeze %dma_start3A_401 : memref<1x8x1024xf32, #tpu.memory_space<hbm>> -> memref<8x1024xf32, #tpu.memory_space<hbm>>
    tpu.enqueue_dma source(%dma_start3A_402 : memref<8x1024xf32, #tpu.memory_space<hbm>>) target(%dma_start3A_400 : memref<8x1024xf32, #tpu.memory_space<vmem>>) target_semaphore(%dma_start3A_396 : memref<!tpu.dma_semaphore, #tpu.memory_space<semaphore_mem>>)
    %jit3A_403 = arith.constant false
    %jit3A_404 = arith.constant 130584 : i32
    %jit3A_405 = arith.constant 392728 : i32
    %select_n3A_406 = arith.select %jit3A_403, %jit3A_404, %jit3A_405 : i32
    %jit3A_407 = arith.constant false
    %jit3A_408 = arith.constant 523792 : i32
    %select_n3A_409 = arith.select %jit3A_407, %jit3A_408, %select_n3A_406 : i32
    %jit3A_410 = arith.constant false
    %jit3A_411 = arith.constant 523784 : i32
    %select_n3A_412 = arith.select %jit3A_410, %jit3A_411, %select_n3A_409 : i32
    %jit3A_413 = arith.constant false
    %jit3A_414 = arith.constant 523776 : i32
    %select_n3A_415 = arith.select %jit3A_413, %jit3A_414, %select_n3A_412 : i32
    %jit3A_416 = arith.constant false
    %jit3A_417 = arith.constant 523768 : i32
    %select_n3A_418 = arith.select %jit3A_416, %jit3A_417, %select_n3A_415 : i32
    %jit3A_419 = arith.constant false
    %jit3A_420 = arith.constant 523760 : i32
    %select_n3A_421 = arith.select %jit3A_419, %jit3A_420, %select_n3A_418 : i32
    %jit3A_422 = arith.constant false
    %jit3A_423 = arith.constant 523752 : i32
    %select_n3A_424 = arith.select %jit3A_422, %jit3A_423, %select_n3A_421 : i32
    %jit3A_425 = arith.constant false
    %jit3A_426 = arith.constant 523744 : i32
    %select_n3A_427 = arith.select %jit3A_425, %jit3A_426, %select_n3A_424 : i32
    %jit3A_428 = arith.constant false
    %jit3A_429 = arith.constant 523736 : i32
    %select_n3A_430 = arith.select %jit3A_428, %jit3A_429, %select_n3A_427 : i32
    %jit3A_431 = arith.constant false
    %jit3A_432 = arith.constant 508368 : i32
    %select_n3A_433 = arith.select %jit3A_431, %jit3A_432, %select_n3A_430 : i32
    %jit3A_434 = arith.constant false
    %jit3A_435 = arith.constant 395672 : i32
    %select_n3A_436 = arith.select %jit3A_434, %jit3A_435, %select_n3A_433 : i32
    %jit3A_437 = arith.constant false
    %jit3A_438 = arith.constant 299408 : i32
    %select_n3A_439 = arith.select %jit3A_437, %jit3A_438, %select_n3A_436 : i32
    %jit3A_440 = arith.constant false
    %jit3A_441 = arith.constant 393584 : i32
    %select_n3A_442 = arith.select %jit3A_440, %jit3A_441, %select_n3A_439 : i32
    %jit3A_443 = arith.constant false
    %jit3A_444 = arith.constant 280896 : i32
    %select_n3A_445 = arith.select %jit3A_443, %jit3A_444, %select_n3A_442 : i32
    %jit3A_446 = arith.constant false
    %jit3A_447 = arith.constant 365880 : i32
    %select_n3A_448 = arith.select %jit3A_446, %jit3A_447, %select_n3A_445 : i32
    %jit3A_449 = arith.constant false
    %jit3A_450 = arith.constant 475440 : i32
    %select_n3A_451 = arith.select %jit3A_449, %jit3A_450, %select_n3A_448 : i32
    %jit3A_452 = arith.constant false
    %jit3A_453 = arith.constant 270624 : i32
    %select_n3A_454 = arith.select %jit3A_452, %jit3A_453, %select_n3A_451 : i32
    %jit3A_455 = arith.constant false
    %jit3A_456 = arith.constant 368904 : i32
    %select_n3A_457 = arith.select %jit3A_455, %jit3A_456, %select_n3A_454 : i32
    %jit3A_458 = arith.constant false
    %jit3A_459 = arith.constant 395448 : i32
    %select_n3A_460 = arith.select %jit3A_458, %jit3A_459, %select_n3A_457 : i32
    %jit3A_461 = arith.constant false
    %jit3A_462 = arith.constant 299184 : i32
    %select_n3A_463 = arith.select %jit3A_461, %jit3A_462, %select_n3A_460 : i32
    %jit3A_464 = arith.constant false
    %jit3A_465 = arith.constant 266384 : i32
    %select_n3A_466 = arith.select %jit3A_464, %jit3A_465, %select_n3A_463 : i32
    %jit3A_467 = arith.constant false
    %jit3A_468 = arith.constant 402520 : i32
    %select_n3A_469 = arith.select %jit3A_467, %jit3A_468, %select_n3A_466 : i32
    %jit3A_470 = arith.constant false
    %jit3A_471 = arith.constant 416848 : i32
    %select_n3A_472 = arith.select %jit3A_470, %jit3A_471, %select_n3A_469 : i32
    %jit3A_473 = arith.constant false
    %jit3A_474 = arith.constant 327752 : i32
    %select_n3A_475 = arith.select %jit3A_473, %jit3A_474, %select_n3A_472 : i32
    %jit3A_476 = arith.constant false
    %jit3A_477 = arith.constant 294968 : i32
    %select_n3A_478 = arith.select %jit3A_476, %jit3A_477, %select_n3A_475 : i32
    %jit3A_479 = arith.constant false
    %jit3A_480 = arith.constant 263208 : i32
    %select_n3A_481 = arith.select %jit3A_479, %jit3A_480, %select_n3A_478 : i32
    %jit3A_482 = arith.constant false
    %jit3A_483 = arith.constant 426016 : i32
    %select_n3A_484 = arith.select %jit3A_482, %jit3A_483, %select_n3A_481 : i32
    %jit3A_485 = arith.constant false
    %jit3A_486 = arith.constant 264208 : i32
    %select_n3A_487 = arith.select %jit3A_485, %jit3A_486, %select_n3A_484 : i32
    %jit3A_488 = arith.constant false
    %jit3A_489 = arith.constant 360456 : i32
    %select_n3A_490 = arith.select %jit3A_488, %jit3A_489, %select_n3A_487 : i32
    %jit3A_491 = arith.constant false
    %jit3A_492 = arith.constant 263168 : i32
    %select_n3A_493 = arith.select %jit3A_491, %jit3A_492, %select_n3A_490 : i32
    %jit3A_494 = arith.constant false
    %jit3A_495 = arith.constant 261648 : i32
    %select_n3A_496 = arith.select %jit3A_494, %jit3A_495, %select_n3A_493 : i32
    %jit3A_497 = arith.constant false
    %jit3A_498 = arith.constant 261640 : i32
    %select_n3A_499 = arith.select %jit3A_497, %jit3A_498, %select_n3A_496 : i32
    %jit3A_500 = arith.constant false
    %jit3A_501 = arith.constant 261632 : i32
    %select_n3A_502 = arith.select %jit3A_500, %jit3A_501, %select_n3A_499 : i32
    %jit3A_503 = arith.constant false
    %jit3A_504 = arith.constant 261624 : i32
    %select_n3A_505 = arith.select %jit3A_503, %jit3A_504, %select_n3A_502 : i32
    %jit3A_506 = arith.constant false
    %jit3A_507 = arith.constant 261616 : i32
    %select_n3A_508 = arith.select %jit3A_506, %jit3A_507, %select_n3A_505 : i32
    %jit3A_509 = arith.constant false
    %jit3A_510 = arith.constant 261608 : i32
    %select_n3A_511 = arith.select %jit3A_509, %jit3A_510, %select_n3A_508 : i32
    %jit3A_512 = arith.constant false
    %jit3A_513 = arith.constant 261600 : i32
    %select_n3A_514 = arith.select %jit3A_512, %jit3A_513, %select_n3A_511 : i32
    %jit3A_515 = arith.constant false
    %jit3A_516 = arith.constant 261592 : i32
    %select_n3A_517 = arith.select %jit3A_515, %jit3A_516, %select_n3A_514 : i32
    %jit3A_518 = arith.constant false
    %jit3A_519 = arith.constant 246224 : i32
    %select_n3A_520 = arith.select %jit3A_518, %jit3A_519, %select_n3A_517 : i32
    %jit3A_521 = arith.constant false
    %jit3A_522 = arith.constant 133528 : i32
    %select_n3A_523 = arith.select %jit3A_521, %jit3A_522, %select_n3A_520 : i32
    %jit3A_524 = arith.constant false
    %jit3A_525 = arith.constant 37264 : i32
    %select_n3A_526 = arith.select %jit3A_524, %jit3A_525, %select_n3A_523 : i32
    %jit3A_527 = arith.constant false
    %jit3A_528 = arith.constant 131440 : i32
    %select_n3A_529 = arith.select %jit3A_527, %jit3A_528, %select_n3A_526 : i32
    %jit3A_530 = arith.constant false
    %jit3A_531 = arith.constant 18752 : i32
    %select_n3A_532 = arith.select %jit3A_530, %jit3A_531, %select_n3A_529 : i32
    %jit3A_533 = arith.constant false
    %jit3A_534 = arith.constant 103736 : i32
    %select_n3A_535 = arith.select %jit3A_533, %jit3A_534, %select_n3A_532 : i32
    %jit3A_536 = arith.constant false
    %jit3A_537 = arith.constant 213296 : i32
    %select_n3A_538 = arith.select %jit3A_536, %jit3A_537, %select_n3A_535 : i32
    %jit3A_539 = arith.constant false
    %jit3A_540 = arith.constant 8480 : i32
    %select_n3A_541 = arith.select %jit3A_539, %jit3A_540, %select_n3A_538 : i32
    %jit3A_542 = arith.constant false
    %jit3A_543 = arith.constant 106760 : i32
    %select_n3A_544 = arith.select %jit3A_542, %jit3A_543, %select_n3A_541 : i32
    %jit3A_545 = arith.constant false
    %jit3A_546 = arith.constant 133304 : i32
    %select_n3A_547 = arith.select %jit3A_545, %jit3A_546, %select_n3A_544 : i32
    %jit3A_548 = arith.constant false
    %jit3A_549 = arith.constant 37040 : i32
    %select_n3A_550 = arith.select %jit3A_548, %jit3A_549, %select_n3A_547 : i32
    %jit3A_551 = arith.constant false
    %jit3A_552 = arith.constant 4240 : i32
    %select_n3A_553 = arith.select %jit3A_551, %jit3A_552, %select_n3A_550 : i32
    %jit3A_554 = arith.constant false
    %jit3A_555 = arith.constant 140376 : i32
    %select_n3A_556 = arith.select %jit3A_554, %jit3A_555, %select_n3A_553 : i32
    %jit3A_557 = arith.constant false
    %jit3A_558 = arith.constant 154704 : i32
    %select_n3A_559 = arith.select %jit3A_557, %jit3A_558, %select_n3A_556 : i32
    %jit3A_560 = arith.constant false
    %jit3A_561 = arith.constant 65608 : i32
    %select_n3A_562 = arith.select %jit3A_560, %jit3A_561, %select_n3A_559 : i32
    %jit3A_563 = arith.constant false
    %jit3A_564 = arith.constant 32824 : i32
    %select_n3A_565 = arith.select %jit3A_563, %jit3A_564, %select_n3A_562 : i32
    %jit3A_566 = arith.constant false
    %jit3A_567 = arith.constant 1064 : i32
    %select_n3A_568 = arith.select %jit3A_566, %jit3A_567, %select_n3A_565 : i32
    %jit3A_569 = arith.constant false
    %jit3A_570 = arith.constant 163872 : i32
    %select_n3A_571 = arith.select %jit3A_569, %jit3A_570, %select_n3A_568 : i32
    %jit3A_572 = arith.constant true
    %jit3A_573 = arith.constant 2064 : i32
    %select_n3A_574 = arith.select %jit3A_572, %jit3A_573, %select_n3A_571 : i32
    %jit3A_575 = arith.constant false
    %jit3A_576 = arith.constant 98312 : i32
    %select_n3A_577 = arith.select %jit3A_575, %jit3A_576, %select_n3A_574 : i32
    %jit3A_578 = arith.constant false
    %jit3A_579 = arith.constant 1024 : i32
    %select_n3A_580 = arith.select %jit3A_578, %jit3A_579, %select_n3A_577 : i32
    %shift_right_arithmetic3A_581 = arith.constant 18 : i32
    %shift_right_arithmetic3A_582 = arith.shrsi %select_n3A_580, %shift_right_arithmetic3A_581 : i32
    %and3A_583 = arith.constant 1023 : i32
    %and3A_584 = arith.andi %select_n3A_580, %and3A_583 : i32
    %shift_right_arithmetic3A_585 = arith.constant 10 : i32
    %shift_right_arithmetic3A_586 = arith.shrsi %select_n3A_580, %shift_right_arithmetic3A_585 : i32
    %and3A_587 = arith.constant 255 : i32
    %and3A_588 = arith.andi %shift_right_arithmetic3A_586, %and3A_587 : i32
    %multiple_of3A_589 = tpu.assume_multiple %and3A_584, 8 : i32
    %dma_start3A_590 = arith.constant 2 : i32
    %dma_start3A_591 = arith.constant 2 : i32
    %dma_start3A_592 = arith.constant 0 : i32
    %dma_start3A_593 = arith.constant 0 : i32
    %dma_start3A_594 = tpu.memref_slice %arg4[%dma_start3A_590, %dma_start3A_592, %dma_start3A_593] : memref<8x8x1024xf32, #tpu.memory_space<vmem>> -> memref<1x8x1024xf32, #tpu.memory_space<vmem>>
    %dma_start3A_595 = tpu.memref_squeeze %dma_start3A_594 : memref<1x8x1024xf32, #tpu.memory_space<vmem>> -> memref<8x1024xf32, #tpu.memory_space<vmem>>
    %dma_start3A_596 = tpu.memref_slice %arg2[%shift_right_arithmetic3A_582, %multiple_of3A_589, %mul3A_2] : memref<3x543x32768xf32, #tpu.memory_space<hbm>> -> memref<1x8x1024xf32, #tpu.memory_space<hbm>>
    %dma_start3A_597 = tpu.memref_squeeze %dma_start3A_596 : memref<1x8x1024xf32, #tpu.memory_space<hbm>> -> memref<8x1024xf32, #tpu.memory_space<hbm>>
    %dma_start3A_598 = tpu.memref_slice %arg6[%dma_start3A_591] : memref<8x!tpu.dma_semaphore, #tpu.memory_space<semaphore_mem>> -> memref<1x!tpu.dma_semaphore, #tpu.memory_space<semaphore_mem>>
    %dma_start3A_599 = tpu.memref_squeeze %dma_start3A_598 : memref<1x!tpu.dma_semaphore, #tpu.memory_space<semaphore_mem>> -> memref<!tpu.dma_semaphore, #tpu.memory_space<semaphore_mem>>
    %dma_start3A_600 = arith.constant 0 : i32
    %dma_start3A_601 = arith.constant 0 : i32
    %dma_start3A_602 = tpu.memref_slice %arg4[%dma_start3A_590, %dma_start3A_600, %dma_start3A_601] : memref<8x8x1024xf32, #tpu.memory_space<vmem>> -> memref<1x8x1024xf32, #tpu.memory_space<vmem>>
    %dma_start3A_603 = tpu.memref_squeeze %dma_start3A_602 : memref<1x8x1024xf32, #tpu.memory_space<vmem>> -> memref<8x1024xf32, #tpu.memory_space<vmem>>
    %dma_start3A_604 = tpu.memref_slice %arg2[%shift_right_arithmetic3A_582, %multiple_of3A_589, %mul3A_2] : memref<3x543x32768xf32, #tpu.memory_space<hbm>> -> memref<1x8x1024xf32, #tpu.memory_space<hbm>>
    %dma_start3A_605 = tpu.memref_squeeze %dma_start3A_604 : memref<1x8x1024xf32, #tpu.memory_space<hbm>> -> memref<8x1024xf32, #tpu.memory_space<hbm>>
    tpu.enqueue_dma source(%dma_start3A_605 : memref<8x1024xf32, #tpu.memory_space<hbm>>) target(%dma_start3A_603 : memref<8x1024xf32, #tpu.memory_space<vmem>>) target_semaphore(%dma_start3A_599 : memref<!tpu.dma_semaphore, #tpu.memory_space<semaphore_mem>>)
    %jit3A_606 = arith.constant false
    %jit3A_607 = arith.constant 130584 : i32
    %jit3A_608 = arith.constant 392728 : i32
    %select_n3A_609 = arith.select %jit3A_606, %jit3A_607, %jit3A_608 : i32
    %jit3A_610 = arith.constant false
    %jit3A_611 = arith.constant 523792 : i32
    %select_n3A_612 = arith.select %jit3A_610, %jit3A_611, %select_n3A_609 : i32
    %jit3A_613 = arith.constant false
    %jit3A_614 = arith.constant 523784 : i32
    %select_n3A_615 = arith.select %jit3A_613, %jit3A_614, %select_n3A_612 : i32
    %jit3A_616 = arith.constant false
    %jit3A_617 = arith.constant 523776 : i32
    %select_n3A_618 = arith.select %jit3A_616, %jit3A_617, %select_n3A_615 : i32
    %jit3A_619 = arith.constant false
    %jit3A_620 = arith.constant 523768 : i32
    %select_n3A_621 = arith.select %jit3A_619, %jit3A_620, %select_n3A_618 : i32
    %jit3A_622 = arith.constant false
    %jit3A_623 = arith.constant 523760 : i32
    %select_n3A_624 = arith.select %jit3A_622, %jit3A_623, %select_n3A_621 : i32
    %jit3A_625 = arith.constant false
    %jit3A_626 = arith.constant 523752 : i32
    %select_n3A_627 = arith.select %jit3A_625, %jit3A_626, %select_n3A_624 : i32
    %jit3A_628 = arith.constant false
    %jit3A_629 = arith.constant 523744 : i32
    %select_n3A_630 = arith.select %jit3A_628, %jit3A_629, %select_n3A_627 : i32
    %jit3A_631 = arith.constant false
    %jit3A_632 = arith.constant 523736 : i32
    %select_n3A_633 = arith.select %jit3A_631, %jit3A_632, %select_n3A_630 : i32
    %jit3A_634 = arith.constant false
    %jit3A_635 = arith.constant 508368 : i32
    %select_n3A_636 = arith.select %jit3A_634, %jit3A_635, %select_n3A_633 : i32
    %jit3A_637 = arith.constant false
    %jit3A_638 = arith.constant 395672 : i32
    %select_n3A_639 = arith.select %jit3A_637, %jit3A_638, %select_n3A_636 : i32
    %jit3A_640 = arith.constant false
    %jit3A_641 = arith.constant 299408 : i32
    %select_n3A_642 = arith.select %jit3A_640, %jit3A_641, %select_n3A_639 : i32
    %jit3A_643 = arith.constant false
    %jit3A_644 = arith.constant 393584 : i32
    %select_n3A_645 = arith.select %jit3A_643, %jit3A_644, %select_n3A_642 : i32
    %jit3A_646 = arith.constant false
    %jit3A_647 = arith.constant 280896 : i32
    %select_n3A_648 = arith.select %jit3A_646, %jit3A_647, %select_n3A_645 : i32
    %jit3A_649 = arith.constant false
    %jit3A_650 = arith.constant 365880 : i32
    %select_n3A_651 = arith.select %jit3A_649, %jit3A_650, %select_n3A_648 : i32
    %jit3A_652 = arith.constant false
    %jit3A_653 = arith.constant 475440 : i32
    %select_n3A_654 = arith.select %jit3A_652, %jit3A_653, %select_n3A_651 : i32
    %jit3A_655 = arith.constant false
    %jit3A_656 = arith.constant 270624 : i32
    %select_n3A_657 = arith.select %jit3A_655, %jit3A_656, %select_n3A_654 : i32
    %jit3A_658 = arith.constant false
    %jit3A_659 = arith.constant 368904 : i32
    %select_n3A_660 = arith.select %jit3A_658, %jit3A_659, %select_n3A_657 : i32
    %jit3A_661 = arith.constant false
    %jit3A_662 = arith.constant 395448 : i32
    %select_n3A_663 = arith.select %jit3A_661, %jit3A_662, %select_n3A_660 : i32
    %jit3A_664 = arith.constant false
    %jit3A_665 = arith.constant 299184 : i32
    %select_n3A_666 = arith.select %jit3A_664, %jit3A_665, %select_n3A_663 : i32
    %jit3A_667 = arith.constant false
    %jit3A_668 = arith.constant 266384 : i32
    %select_n3A_669 = arith.select %jit3A_667, %jit3A_668, %select_n3A_666 : i32
    %jit3A_670 = arith.constant false
    %jit3A_671 = arith.constant 402520 : i32
    %select_n3A_672 = arith.select %jit3A_670, %jit3A_671, %select_n3A_669 : i32
    %jit3A_673 = arith.constant false
    %jit3A_674 = arith.constant 416848 : i32
    %select_n3A_675 = arith.select %jit3A_673, %jit3A_674, %select_n3A_672 : i32
    %jit3A_676 = arith.constant false
    %jit3A_677 = arith.constant 327752 : i32
    %select_n3A_678 = arith.select %jit3A_676, %jit3A_677, %select_n3A_675 : i32
    %jit3A_679 = arith.constant false
    %jit3A_680 = arith.constant 294968 : i32
    %select_n3A_681 = arith.select %jit3A_679, %jit3A_680, %select_n3A_678 : i32
    %jit3A_682 = arith.constant false
    %jit3A_683 = arith.constant 263208 : i32
    %select_n3A_684 = arith.select %jit3A_682, %jit3A_683, %select_n3A_681 : i32
    %jit3A_685 = arith.constant false
    %jit3A_686 = arith.constant 426016 : i32
    %select_n3A_687 = arith.select %jit3A_685, %jit3A_686, %select_n3A_684 : i32
    %jit3A_688 = arith.constant false
    %jit3A_689 = arith.constant 264208 : i32
    %select_n3A_690 = arith.select %jit3A_688, %jit3A_689, %select_n3A_687 : i32
    %jit3A_691 = arith.constant false
    %jit3A_692 = arith.constant 360456 : i32
    %select_n3A_693 = arith.select %jit3A_691, %jit3A_692, %select_n3A_690 : i32
    %jit3A_694 = arith.constant false
    %jit3A_695 = arith.constant 263168 : i32
    %select_n3A_696 = arith.select %jit3A_694, %jit3A_695, %select_n3A_693 : i32
    %jit3A_697 = arith.constant false
    %jit3A_698 = arith.constant 261648 : i32
    %select_n3A_699 = arith.select %jit3A_697, %jit3A_698, %select_n3A_696 : i32
    %jit3A_700 = arith.constant false
    %jit3A_701 = arith.constant 261640 : i32
    %select_n3A_702 = arith.select %jit3A_700, %jit3A_701, %select_n3A_699 : i32
    %jit3A_703 = arith.constant false
    %jit3A_704 = arith.constant 261632 : i32
    %select_n3A_705 = arith.select %jit3A_703, %jit3A_704, %select_n3A_702 : i32
    %jit3A_706 = arith.constant false
    %jit3A_707 = arith.constant 261624 : i32
    %select_n3A_708 = arith.select %jit3A_706, %jit3A_707, %select_n3A_705 : i32
    %jit3A_709 = arith.constant false
    %jit3A_710 = arith.constant 261616 : i32
    %select_n3A_711 = arith.select %jit3A_709, %jit3A_710, %select_n3A_708 : i32
    %jit3A_712 = arith.constant false
    %jit3A_713 = arith.constant 261608 : i32
    %select_n3A_714 = arith.select %jit3A_712, %jit3A_713, %select_n3A_711 : i32
    %jit3A_715 = arith.constant false
    %jit3A_716 = arith.constant 261600 : i32
    %select_n3A_717 = arith.select %jit3A_715, %jit3A_716, %select_n3A_714 : i32
    %jit3A_718 = arith.constant false
    %jit3A_719 = arith.constant 261592 : i32
    %select_n3A_720 = arith.select %jit3A_718, %jit3A_719, %select_n3A_717 : i32
    %jit3A_721 = arith.constant false
    %jit3A_722 = arith.constant 246224 : i32
    %select_n3A_723 = arith.select %jit3A_721, %jit3A_722, %select_n3A_720 : i32
    %jit3A_724 = arith.constant false
    %jit3A_725 = arith.constant 133528 : i32
    %select_n3A_726 = arith.select %jit3A_724, %jit3A_725, %select_n3A_723 : i32
    %jit3A_727 = arith.constant false
    %jit3A_728 = arith.constant 37264 : i32
    %select_n3A_729 = arith.select %jit3A_727, %jit3A_728, %select_n3A_726 : i32
    %jit3A_730 = arith.constant false
    %jit3A_731 = arith.constant 131440 : i32
    %select_n3A_732 = arith.select %jit3A_730, %jit3A_731, %select_n3A_729 : i32
    %jit3A_733 = arith.constant false
    %jit3A_734 = arith.constant 18752 : i32
    %select_n3A_735 = arith.select %jit3A_733, %jit3A_734, %select_n3A_732 : i32
    %jit3A_736 = arith.constant false
    %jit3A_737 = arith.constant 103736 : i32
    %select_n3A_738 = arith.select %jit3A_736, %jit3A_737, %select_n3A_735 : i32
    %jit3A_739 = arith.constant false
    %jit3A_740 = arith.constant 213296 : i32
    %select_n3A_741 = arith.select %jit3A_739, %jit3A_740, %select_n3A_738 : i32
    %jit3A_742 = arith.constant false
    %jit3A_743 = arith.constant 8480 : i32
    %select_n3A_744 = arith.select %jit3A_742, %jit3A_743, %select_n3A_741 : i32
    %jit3A_745 = arith.constant false
    %jit3A_746 = arith.constant 106760 : i32
    %select_n3A_747 = arith.select %jit3A_745, %jit3A_746, %select_n3A_744 : i32
    %jit3A_748 = arith.constant false
    %jit3A_749 = arith.constant 133304 : i32
    %select_n3A_750 = arith.select %jit3A_748, %jit3A_749, %select_n3A_747 : i32
    %jit3A_751 = arith.constant false
    %jit3A_752 = arith.constant 37040 : i32
    %select_n3A_753 = arith.select %jit3A_751, %jit3A_752, %select_n3A_750 : i32
    %jit3A_754 = arith.constant false
    %jit3A_755 = arith.constant 4240 : i32
    %select_n3A_756 = arith.select %jit3A_754, %jit3A_755, %select_n3A_753 : i32
    %jit3A_757 = arith.constant false
    %jit3A_758 = arith.constant 140376 : i32
    %select_n3A_759 = arith.select %jit3A_757, %jit3A_758, %select_n3A_756 : i32
    %jit3A_760 = arith.constant false
    %jit3A_761 = arith.constant 154704 : i32
    %select_n3A_762 = arith.select %jit3A_760, %jit3A_761, %select_n3A_759 : i32
    %jit3A_763 = arith.constant false
    %jit3A_764 = arith.constant 65608 : i32
    %select_n3A_765 = arith.select %jit3A_763, %jit3A_764, %select_n3A_762 : i32
    %jit3A_766 = arith.constant false
    %jit3A_767 = arith.constant 32824 : i32
    %select_n3A_768 = arith.select %jit3A_766, %jit3A_767, %select_n3A_765 : i32
    %jit3A_769 = arith.constant false
    %jit3A_770 = arith.constant 1064 : i32
    %select_n3A_771 = arith.select %jit3A_769, %jit3A_770, %select_n3A_768 : i32
    %jit3A_772 = arith.constant true
    %jit3A_773 = arith.constant 163872 : i32
    %select_n3A_774 = arith.select %jit3A_772, %jit3A_773, %select_n3A_771 : i32
    %jit3A_775 = arith.constant false
    %jit3A_776 = arith.constant 2064 : i32
    %select_n3A_777 = arith.select %jit3A_775, %jit3A_776, %select_n3A_774 : i32
    %jit3A_778 = arith.constant false
    %jit3A_779 = arith.constant 98312 : i32
    %select_n3A_780 = arith.select %jit3A_778, %jit3A_779, %select_n3A_777 : i32
    %jit3A_781 = arith.constant false
    %jit3A_782 = arith.constant 1024 : i32
    %select_n3A_783 = arith.select %jit3A_781, %jit3A_782, %select_n3A_780 : i32
    %shift_right_arithmetic3A_784 = arith.constant 18 : i32
    %shift_right_arithmetic3A_785 = arith.shrsi %select_n3A_783, %shift_right_arithmetic3A_784 : i32
    %and3A_786 = arith.constant 1023 : i32
    %and3A_787 = arith.andi %select_n3A_783, %and3A_786 : i32
    %shift_right_arithmetic3A_788 = arith.constant 10 : i32
    %shift_right_arithmetic3A_789 = arith.shrsi %select_n3A_783, %shift_right_arithmetic3A_788 : i32
    %and3A_790 = arith.constant 255 : i32
    %and3A_791 = arith.andi %shift_right_arithmetic3A_789, %and3A_790 : i32
    %multiple_of3A_792 = tpu.assume_multiple %and3A_787, 8 : i32
    %dma_start3A_793 = arith.constant 3 : i32
    %dma_start3A_794 = arith.constant 3 : i32
    %dma_start3A_795 = arith.constant 0 : i32
    %dma_start3A_796 = arith.constant 0 : i32
    %dma_start3A_797 = tpu.memref_slice %arg4[%dma_start3A_793, %dma_start3A_795, %dma_start3A_796] : memref<8x8x1024xf32, #tpu.memory_space<vmem>> -> memref<1x8x1024xf32, #tpu.memory_space<vmem>>
    %dma_start3A_798 = tpu.memref_squeeze %dma_start3A_797 : memref<1x8x1024xf32, #tpu.memory_space<vmem>> -> memref<8x1024xf32, #tpu.memory_space<vmem>>
    %dma_start3A_799 = tpu.memref_slice %arg2[%shift_right_arithmetic3A_785, %multiple_of3A_792, %mul3A_2] : memref<3x543x32768xf32, #tpu.memory_space<hbm>> -> memref<1x8x1024xf32, #tpu.memory_space<hbm>>
    %dma_start3A_800 = tpu.memref_squeeze %dma_start3A_799 : memref<1x8x1024xf32, #tpu.memory_space<hbm>> -> memref<8x1024xf32, #tpu.memory_space<hbm>>
    %dma_start3A_801 = tpu.memref_slice %arg6[%dma_start3A_794] : memref<8x!tpu.dma_semaphore, #tpu.memory_space<semaphore_mem>> -> memref<1x!tpu.dma_semaphore, #tpu.memory_space<semaphore_mem>>
    %dma_start3A_802 = tpu.memref_squeeze %dma_start3A_801 : memref<1x!tpu.dma_semaphore, #tpu.memory_space<semaphore_mem>> -> memref<!tpu.dma_semaphore, #tpu.memory_space<semaphore_mem>>
    %dma_start3A_803 = arith.constant 0 : i32
    %dma_start3A_804 = arith.constant 0 : i32
    %dma_start3A_805 = tpu.memref_slice %arg4[%dma_start3A_793, %dma_start3A_803, %dma_start3A_804] : memref<8x8x1024xf32, #tpu.memory_space<vmem>> -> memref<1x8x1024xf32, #tpu.memory_space<vmem>>
    %dma_start3A_806 = tpu.memref_squeeze %dma_start3A_805 : memref<1x8x1024xf32, #tpu.memory_space<vmem>> -> memref<8x1024xf32, #tpu.memory_space<vmem>>
    %dma_start3A_807 = tpu.memref_slice %arg2[%shift_right_arithmetic3A_785, %multiple_of3A_792, %mul3A_2] : memref<3x543x32768xf32, #tpu.memory_space<hbm>> -> memref<1x8x1024xf32, #tpu.memory_space<hbm>>
    %dma_start3A_808 = tpu.memref_squeeze %dma_start3A_807 : memref<1x8x1024xf32, #tpu.memory_space<hbm>> -> memref<8x1024xf32, #tpu.memory_space<hbm>>
    tpu.enqueue_dma source(%dma_start3A_808 : memref<8x1024xf32, #tpu.memory_space<hbm>>) target(%dma_start3A_806 : memref<8x1024xf32, #tpu.memory_space<vmem>>) target_semaphore(%dma_start3A_802 : memref<!tpu.dma_semaphore, #tpu.memory_space<semaphore_mem>>)
    %jit3A_809 = arith.constant false
    %jit3A_810 = arith.constant 130584 : i32
    %jit3A_811 = arith.constant 392728 : i32
    %select_n3A_812 = arith.select %jit3A_809, %jit3A_810, %jit3A_811 : i32
    %jit3A_813 = arith.constant false
    %jit3A_814 = arith.constant 523792 : i32
    %select_n3A_815 = arith.select %jit3A_813, %jit3A_814, %select_n3A_812 : i32
    %jit3A_816 = arith.constant false
    %jit3A_817 = arith.constant 523784 : i32
    %select_n3A_818 = arith.select %jit3A_816, %jit3A_817, %select_n3A_815 : i32
    %jit3A_819 = arith.constant false
    %jit3A_820 = arith.constant 523776 : i32
    %select_n3A_821 = arith.select %jit3A_819, %jit3A_820, %select_n3A_818 : i32
    %jit3A_822 = arith.constant false
    %jit3A_823 = arith.constant 523768 : i32
    %select_n3A_824 = arith.select %jit3A_822, %jit3A_823, %select_n3A_821 : i32
    %jit3A_825 = arith.constant false
    %jit3A_826 = arith.constant 523760 : i32
    %select_n3A_827 = arith.select %jit3A_825, %jit3A_826, %select_n3A_824 : i32
    %jit3A_828 = arith.constant false
    %jit3A_829 = arith.constant 523752 : i32
    %select_n3A_830 = arith.select %jit3A_828, %jit3A_829, %select_n3A_827 : i32
    %jit3A_831 = arith.constant false
    %jit3A_832 = arith.constant 523744 : i32
    %select_n3A_833 = arith.select %jit3A_831, %jit3A_832, %select_n3A_830 : i32
    %jit3A_834 = arith.constant false
    %jit3A_835 = arith.constant 523736 : i32
    %select_n3A_836 = arith.select %jit3A_834, %jit3A_835, %select_n3A_833 : i32
    %jit3A_837 = arith.constant false
    %jit3A_838 = arith.constant 508368 : i32
    %select_n3A_839 = arith.select %jit3A_837, %jit3A_838, %select_n3A_836 : i32
    %jit3A_840 = arith.constant false
    %jit3A_841 = arith.constant 395672 : i32
    %select_n3A_842 = arith.select %jit3A_840, %jit3A_841, %select_n3A_839 : i32
    %jit3A_843 = arith.constant false
    %jit3A_844 = arith.constant 299408 : i32
    %select_n3A_845 = arith.select %jit3A_843, %jit3A_844, %select_n3A_842 : i32
    %jit3A_846 = arith.constant false
    %jit3A_847 = arith.constant 393584 : i32
    %select_n3A_848 = arith.select %jit3A_846, %jit3A_847, %select_n3A_845 : i32
    %jit3A_849 = arith.constant false
    %jit3A_850 = arith.constant 280896 : i32
    %select_n3A_851 = arith.select %jit3A_849, %jit3A_850, %select_n3A_848 : i32
    %jit3A_852 = arith.constant false
    %jit3A_853 = arith.constant 365880 : i32
    %select_n3A_854 = arith.select %jit3A_852, %jit3A_853, %select_n3A_851 : i32
    %jit3A_855 = arith.constant false
    %jit3A_856 = arith.constant 475440 : i32
    %select_n3A_857 = arith.select %jit3A_855, %jit3A_856, %select_n3A_854 : i32
    %jit3A_858 = arith.constant false
    %jit3A_859 = arith.constant 270624 : i32
    %select_n3A_860 = arith.select %jit3A_858, %jit3A_859, %select_n3A_857 : i32
    %jit3A_861 = arith.constant false
    %jit3A_862 = arith.constant 368904 : i32
    %select_n3A_863 = arith.select %jit3A_861, %jit3A_862, %select_n3A_860 : i32
    %jit3A_864 = arith.constant false
    %jit3A_865 = arith.constant 395448 : i32
    %select_n3A_866 = arith.select %jit3A_864, %jit3A_865, %select_n3A_863 : i32
    %jit3A_867 = arith.constant false
    %jit3A_868 = arith.constant 299184 : i32
    %select_n3A_869 = arith.select %jit3A_867, %jit3A_868, %select_n3A_866 : i32
    %jit3A_870 = arith.constant false
    %jit3A_871 = arith.constant 266384 : i32
    %select_n3A_872 = arith.select %jit3A_870, %jit3A_871, %select_n3A_869 : i32
    %jit3A_873 = arith.constant false
    %jit3A_874 = arith.constant 402520 : i32
    %select_n3A_875 = arith.select %jit3A_873, %jit3A_874, %select_n3A_872 : i32
    %jit3A_876 = arith.constant false
    %jit3A_877 = arith.constant 416848 : i32
    %select_n3A_878 = arith.select %jit3A_876, %jit3A_877, %select_n3A_875 : i32
    %jit3A_879 = arith.constant false
    %jit3A_880 = arith.constant 327752 : i32
    %select_n3A_881 = arith.select %jit3A_879, %jit3A_880, %select_n3A_878 : i32
    %jit3A_882 = arith.constant false
    %jit3A_883 = arith.constant 294968 : i32
    %select_n3A_884 = arith.select %jit3A_882, %jit3A_883, %select_n3A_881 : i32
    %jit3A_885 = arith.constant false
    %jit3A_886 = arith.constant 263208 : i32
    %select_n3A_887 = arith.select %jit3A_885, %jit3A_886, %select_n3A_884 : i32
    %jit3A_888 = arith.constant false
    %jit3A_889 = arith.constant 426016 : i32
    %select_n3A_890 = arith.select %jit3A_888, %jit3A_889, %select_n3A_887 : i32
    %jit3A_891 = arith.constant false
    %jit3A_892 = arith.constant 264208 : i32
    %select_n3A_893 = arith.select %jit3A_891, %jit3A_892, %select_n3A_890 : i32
    %jit3A_894 = arith.constant false
    %jit3A_895 = arith.constant 360456 : i32
    %select_n3A_896 = arith.select %jit3A_894, %jit3A_895, %select_n3A_893 : i32
    %jit3A_897 = arith.constant false
    %jit3A_898 = arith.constant 263168 : i32
    %select_n3A_899 = arith.select %jit3A_897, %jit3A_898, %select_n3A_896 : i32
    %jit3A_900 = arith.constant false
    %jit3A_901 = arith.constant 261648 : i32
    %select_n3A_902 = arith.select %jit3A_900, %jit3A_901, %select_n3A_899 : i32
    %jit3A_903 = arith.constant false
    %jit3A_904 = arith.constant 261640 : i32
    %select_n3A_905 = arith.select %jit3A_903, %jit3A_904, %select_n3A_902 : i32
    %jit3A_906 = arith.constant false
    %jit3A_907 = arith.constant 261632 : i32
    %select_n3A_908 = arith.select %jit3A_906, %jit3A_907, %select_n3A_905 : i32
    %jit3A_909 = arith.constant false
    %jit3A_910 = arith.constant 261624 : i32
    %select_n3A_911 = arith.select %jit3A_909, %jit3A_910, %select_n3A_908 : i32
    %jit3A_912 = arith.constant false
    %jit3A_913 = arith.constant 261616 : i32
    %select_n3A_914 = arith.select %jit3A_912, %jit3A_913, %select_n3A_911 : i32
    %jit3A_915 = arith.constant false
    %jit3A_916 = arith.constant 261608 : i32
    %select_n3A_917 = arith.select %jit3A_915, %jit3A_916, %select_n3A_914 : i32
    %jit3A_918 = arith.constant false
    %jit3A_919 = arith.constant 261600 : i32
    %select_n3A_920 = arith.select %jit3A_918, %jit3A_919, %select_n3A_917 : i32
    %jit3A_921 = arith.constant false
    %jit3A_922 = arith.constant 261592 : i32
    %select_n3A_923 = arith.select %jit3A_921, %jit3A_922, %select_n3A_920 : i32
    %jit3A_924 = arith.constant false
    %jit3A_925 = arith.constant 246224 : i32
    %select_n3A_926 = arith.select %jit3A_924, %jit3A_925, %select_n3A_923 : i32
    %jit3A_927 = arith.constant false
    %jit3A_928 = arith.constant 133528 : i32
    %select_n3A_929 = arith.select %jit3A_927, %jit3A_928, %select_n3A_926 : i32
    %jit3A_930 = arith.constant false
    %jit3A_931 = arith.constant 37264 : i32
    %select_n3A_932 = arith.select %jit3A_930, %jit3A_931, %select_n3A_929 : i32
    %jit3A_933 = arith.constant false
    %jit3A_934 = arith.constant 131440 : i32
    %select_n3A_935 = arith.select %jit3A_933, %jit3A_934, %select_n3A_932 : i32
    %jit3A_936 = arith.constant false
    %jit3A_937 = arith.constant 18752 : i32
    %select_n3A_938 = arith.select %jit3A_936, %jit3A_937, %select_n3A_935 : i32
    %jit3A_939 = arith.constant false
    %jit3A_940 = arith.constant 103736 : i32
    %select_n3A_941 = arith.select %jit3A_939, %jit3A_940, %select_n3A_938 : i32
    %jit3A_942 = arith.constant false
    %jit3A_943 = arith.constant 213296 : i32
    %select_n3A_944 = arith.select %jit3A_942, %jit3A_943, %select_n3A_941 : i32
    %jit3A_945 = arith.constant false
    %jit3A_946 = arith.constant 8480 : i32
    %select_n3A_947 = arith.select %jit3A_945, %jit3A_946, %select_n3A_944 : i32
    %jit3A_948 = arith.constant false
    %jit3A_949 = arith.constant 106760 : i32
    %select_n3A_950 = arith.select %jit3A_948, %jit3A_949, %select_n3A_947 : i32
    %jit3A_951 = arith.constant false
    %jit3A_952 = arith.constant 133304 : i32
    %select_n3A_953 = arith.select %jit3A_951, %jit3A_952, %select_n3A_950 : i32
    %jit3A_954 = arith.constant false
    %jit3A_955 = arith.constant 37040 : i32
    %select_n3A_956 = arith.select %jit3A_954, %jit3A_955, %select_n3A_953 : i32
    %jit3A_957 = arith.constant false
    %jit3A_958 = arith.constant 4240 : i32
    %select_n3A_959 = arith.select %jit3A_957, %jit3A_958, %select_n3A_956 : i32
    %jit3A_960 = arith.constant false
    %jit3A_961 = arith.constant 140376 : i32
    %select_n3A_962 = arith.select %jit3A_960, %jit3A_961, %select_n3A_959 : i32
    %jit3A_963 = arith.constant false
    %jit3A_964 = arith.constant 154704 : i32
    %select_n3A_965 = arith.select %jit3A_963, %jit3A_964, %select_n3A_962 : i32
    %jit3A_966 = arith.constant false
    %jit3A_967 = arith.constant 65608 : i32
    %select_n3A_968 = arith.select %jit3A_966, %jit3A_967, %select_n3A_965 : i32
    %jit3A_969 = arith.constant false
    %jit3A_970 = arith.constant 32824 : i32
    %select_n3A_971 = arith.select %jit3A_969, %jit3A_970, %select_n3A_968 : i32
    %jit3A_972 = arith.constant true
    %jit3A_973 = arith.constant 1064 : i32
    %select_n3A_974 = arith.select %jit3A_972, %jit3A_973, %select_n3A_971 : i32
    %jit3A_975 = arith.constant false
    %jit3A_976 = arith.constant 163872 : i32
    %select_n3A_977 = arith.select %jit3A_975, %jit3A_976, %select_n3A_974 : i32
    %jit3A_978 = arith.constant false
    %jit3A_979 = arith.constant 2064 : i32
    %select_n3A_980 = arith.select %jit3A_978, %jit3A_979, %select_n3A_977 : i32
    %jit3A_981 = arith.constant false
    %jit3A_982 = arith.constant 98312 : i32
    %select_n3A_983 = arith.select %jit3A_981, %jit3A_982, %select_n3A_980 : i32
    %jit3A_984 = arith.constant false
    %jit3A_985 = arith.constant 1024 : i32
    %select_n3A_986 = arith.select %jit3A_984, %jit3A_985, %select_n3A_983 : i32
    %shift_right_arithmetic3A_987 = arith.constant 18 : i32
    %shift_right_arithmetic3A_988 = arith.shrsi %select_n3A_986, %shift_right_arithmetic3A_987 : i32
    %and3A_989 = arith.constant 1023 : i32
    %and3A_990 = arith.andi %select_n3A_986, %and3A_989 : i32
    %shift_right_arithmetic3A_991 = arith.constant 10 : i32
    %shift_right_arithmetic3A_992 = arith.shrsi %select_n3A_986, %shift_right_arithmetic3A_991 : i32
    %and3A_993 = arith.constant 255 : i32
    %and3A_994 = arith.andi %shift_right_arithmetic3A_992, %and3A_993 : i32
    %multiple_of3A_995 = tpu.assume_multiple %and3A_990, 8 : i32
    %dma_start3A_996 = arith.constant 4 : i32
    %dma_start3A_997 = arith.constant 4 : i32
    %dma_start3A_998 = arith.constant 0 : i32
    %dma_start3A_999 = arith.constant 0 : i32
    %dma_start3A_1000 = tpu.memref_slice %arg4[%dma_start3A_996, %dma_start3A_998, %dma_start3A_999] : memref<8x8x1024xf32, #tpu.memory_space<vmem>> -> memref<1x8x1024xf32, #tpu.memory_space<vmem>>
    %dma_start3A_1001 = tpu.memref_squeeze %dma_start3A_1000 : memref<1x8x1024xf32, #tpu.memory_space<vmem>> -> memref<8x1024xf32, #tpu.memory_space<vmem>>
    %dma_start3A_1002 = tpu.memref_slice %arg2[%shift_right_arithmetic3A_988, %multiple_of3A_995, %mul3A_2] : memref<3x543x32768xf32, #tpu.memory_space<hbm>> -> memref<1x8x1024xf32, #tpu.memory_space<hbm>>
    %dma_start3A_1003 = tpu.memref_squeeze %dma_start3A_1002 : memref<1x8x1024xf32, #tpu.memory_space<hbm>> -> memref<8x1024xf32, #tpu.memory_space<hbm>>
    %dma_start3A_1004 = tpu.memref_slice %arg6[%dma_start3A_997] : memref<8x!tpu.dma_semaphore, #tpu.memory_space<semaphore_mem>> -> memref<1x!tpu.dma_semaphore, #tpu.memory_space<semaphore_mem>>
    %dma_start3A_1005 = tpu.memref_squeeze %dma_start3A_1004 : memref<1x!tpu.dma_semaphore, #tpu.memory_space<semaphore_mem>> -> memref<!tpu.dma_semaphore, #tpu.memory_space<semaphore_mem>>
    %dma_start3A_1006 = arith.constant 0 : i32
    %dma_start3A_1007 = arith.constant 0 : i32
    %dma_start3A_1008 = tpu.memref_slice %arg4[%dma_start3A_996, %dma_start3A_1006, %dma_start3A_1007] : memref<8x8x1024xf32, #tpu.memory_space<vmem>> -> memref<1x8x1024xf32, #tpu.memory_space<vmem>>
    %dma_start3A_1009 = tpu.memref_squeeze %dma_start3A_1008 : memref<1x8x1024xf32, #tpu.memory_space<vmem>> -> memref<8x1024xf32, #tpu.memory_space<vmem>>
    %dma_start3A_1010 = tpu.memref_slice %arg2[%shift_right_arithmetic3A_988, %multiple_of3A_995, %mul3A_2] : memref<3x543x32768xf32, #tpu.memory_space<hbm>> -> memref<1x8x1024xf32, #tpu.memory_space<hbm>>
    %dma_start3A_1011 = tpu.memref_squeeze %dma_start3A_1010 : memref<1x8x1024xf32, #tpu.memory_space<hbm>> -> memref<8x1024xf32, #tpu.memory_space<hbm>>
    tpu.enqueue_dma source(%dma_start3A_1011 : memref<8x1024xf32, #tpu.memory_space<hbm>>) target(%dma_start3A_1009 : memref<8x1024xf32, #tpu.memory_space<vmem>>) target_semaphore(%dma_start3A_1005 : memref<!tpu.dma_semaphore, #tpu.memory_space<semaphore_mem>>)
    %jit3A_1012 = arith.constant false
    %jit3A_1013 = arith.constant 130584 : i32
    %jit3A_1014 = arith.constant 392728 : i32
    %select_n3A_1015 = arith.select %jit3A_1012, %jit3A_1013, %jit3A_1014 : i32
    %jit3A_1016 = arith.constant false
    %jit3A_1017 = arith.constant 523792 : i32
    %select_n3A_1018 = arith.select %jit3A_1016, %jit3A_1017, %select_n3A_1015 : i32
    %jit3A_1019 = arith.constant false
    %jit3A_1020 = arith.constant 523784 : i32
    %select_n3A_1021 = arith.select %jit3A_1019, %jit3A_1020, %select_n3A_1018 : i32
    %jit3A_1022 = arith.constant false
    %jit3A_1023 = arith.constant 523776 : i32
    %select_n3A_1024 = arith.select %jit3A_1022, %jit3A_1023, %select_n3A_1021 : i32
    %jit3A_1025 = arith.constant false
    %jit3A_1026 = arith.constant 523768 : i32
    %select_n3A_1027 = arith.select %jit3A_1025, %jit3A_1026, %select_n3A_1024 : i32
    %jit3A_1028 = arith.constant false
    %jit3A_1029 = arith.constant 523760 : i32
    %select_n3A_1030 = arith.select %jit3A_1028, %jit3A_1029, %select_n3A_1027 : i32
    %jit3A_1031 = arith.constant false
    %jit3A_1032 = arith.constant 523752 : i32
    %select_n3A_1033 = arith.select %jit3A_1031, %jit3A_1032, %select_n3A_1030 : i32
    %jit3A_1034 = arith.constant false
    %jit3A_1035 = arith.constant 523744 : i32
    %select_n3A_1036 = arith.select %jit3A_1034, %jit3A_1035, %select_n3A_1033 : i32
    %jit3A_1037 = arith.constant false
    %jit3A_1038 = arith.constant 523736 : i32
    %select_n3A_1039 = arith.select %jit3A_1037, %jit3A_1038, %select_n3A_1036 : i32
    %jit3A_1040 = arith.constant false
    %jit3A_1041 = arith.constant 508368 : i32
    %select_n3A_1042 = arith.select %jit3A_1040, %jit3A_1041, %select_n3A_1039 : i32
    %jit3A_1043 = arith.constant false
    %jit3A_1044 = arith.constant 395672 : i32
    %select_n3A_1045 = arith.select %jit3A_1043, %jit3A_1044, %select_n3A_1042 : i32
    %jit3A_1046 = arith.constant false
    %jit3A_1047 = arith.constant 299408 : i32
    %select_n3A_1048 = arith.select %jit3A_1046, %jit3A_1047, %select_n3A_1045 : i32
    %jit3A_1049 = arith.constant false
    %jit3A_1050 = arith.constant 393584 : i32
    %select_n3A_1051 = arith.select %jit3A_1049, %jit3A_1050, %select_n3A_1048 : i32
    %jit3A_1052 = arith.constant false
    %jit3A_1053 = arith.constant 280896 : i32
    %select_n3A_1054 = arith.select %jit3A_1052, %jit3A_1053, %select_n3A_1051 : i32
    %jit3A_1055 = arith.constant false
    %jit3A_1056 = arith.constant 365880 : i32
    %select_n3A_1057 = arith.select %jit3A_1055, %jit3A_1056, %select_n3A_1054 : i32
    %jit3A_1058 = arith.constant false
    %jit3A_1059 = arith.constant 475440 : i32
    %select_n3A_1060 = arith.select %jit3A_1058, %jit3A_1059, %select_n3A_1057 : i32
    %jit3A_1061 = arith.constant false
    %jit3A_1062 = arith.constant 270624 : i32
    %select_n3A_1063 = arith.select %jit3A_1061, %jit3A_1062, %select_n3A_1060 : i32
    %jit3A_1064 = arith.constant false
    %jit3A_1065 = arith.constant 368904 : i32
    %select_n3A_1066 = arith.select %jit3A_1064, %jit3A_1065, %select_n3A_1063 : i32
    %jit3A_1067 = arith.constant false
    %jit3A_1068 = arith.constant 395448 : i32
    %select_n3A_1069 = arith.select %jit3A_1067, %jit3A_1068, %select_n3A_1066 : i32
    %jit3A_1070 = arith.constant false
    %jit3A_1071 = arith.constant 299184 : i32
    %select_n3A_1072 = arith.select %jit3A_1070, %jit3A_1071, %select_n3A_1069 : i32
    %jit3A_1073 = arith.constant false
    %jit3A_1074 = arith.constant 266384 : i32
    %select_n3A_1075 = arith.select %jit3A_1073, %jit3A_1074, %select_n3A_1072 : i32
    %jit3A_1076 = arith.constant false
    %jit3A_1077 = arith.constant 402520 : i32
    %select_n3A_1078 = arith.select %jit3A_1076, %jit3A_1077, %select_n3A_1075 : i32
    %jit3A_1079 = arith.constant false
    %jit3A_1080 = arith.constant 416848 : i32
    %select_n3A_1081 = arith.select %jit3A_1079, %jit3A_1080, %select_n3A_1078 : i32
    %jit3A_1082 = arith.constant false
    %jit3A_1083 = arith.constant 327752 : i32
    %select_n3A_1084 = arith.select %jit3A_1082, %jit3A_1083, %select_n3A_1081 : i32
    %jit3A_1085 = arith.constant false
    %jit3A_1086 = arith.constant 294968 : i32
    %select_n3A_1087 = arith.select %jit3A_1085, %jit3A_1086, %select_n3A_1084 : i32
    %jit3A_1088 = arith.constant false
    %jit3A_1089 = arith.constant 263208 : i32
    %select_n3A_1090 = arith.select %jit3A_1088, %jit3A_1089, %select_n3A_1087 : i32
    %jit3A_1091 = arith.constant false
    %jit3A_1092 = arith.constant 426016 : i32
    %select_n3A_1093 = arith.select %jit3A_1091, %jit3A_1092, %select_n3A_1090 : i32
    %jit3A_1094 = arith.constant false
    %jit3A_1095 = arith.constant 264208 : i32
    %select_n3A_1096 = arith.select %jit3A_1094, %jit3A_1095, %select_n3A_1093 : i32
    %jit3A_1097 = arith.constant false
    %jit3A_1098 = arith.constant 360456 : i32
    %select_n3A_1099 = arith.select %jit3A_1097, %jit3A_1098, %select_n3A_1096 : i32
    %jit3A_1100 = arith.constant false
    %jit3A_1101 = arith.constant 263168 : i32
    %select_n3A_1102 = arith.select %jit3A_1100, %jit3A_1101, %select_n3A_1099 : i32
    %jit3A_1103 = arith.constant false
    %jit3A_1104 = arith.constant 261648 : i32
    %select_n3A_1105 = arith.select %jit3A_1103, %jit3A_1104, %select_n3A_1102 : i32
    %jit3A_1106 = arith.constant false
    %jit3A_1107 = arith.constant 261640 : i32
    %select_n3A_1108 = arith.select %jit3A_1106, %jit3A_1107, %select_n3A_1105 : i32
    %jit3A_1109 = arith.constant false
    %jit3A_1110 = arith.constant 261632 : i32
    %select_n3A_1111 = arith.select %jit3A_1109, %jit3A_1110, %select_n3A_1108 : i32
    %jit3A_1112 = arith.constant false
    %jit3A_1113 = arith.constant 261624 : i32
    %select_n3A_1114 = arith.select %jit3A_1112, %jit3A_1113, %select_n3A_1111 : i32
    %jit3A_1115 = arith.constant false
    %jit3A_1116 = arith.constant 261616 : i32
    %select_n3A_1117 = arith.select %jit3A_1115, %jit3A_1116, %select_n3A_1114 : i32
    %jit3A_1118 = arith.constant false
    %jit3A_1119 = arith.constant 261608 : i32
    %select_n3A_1120 = arith.select %jit3A_1118, %jit3A_1119, %select_n3A_1117 : i32
    %jit3A_1121 = arith.constant false
    %jit3A_1122 = arith.constant 261600 : i32
    %select_n3A_1123 = arith.select %jit3A_1121, %jit3A_1122, %select_n3A_1120 : i32
    %jit3A_1124 = arith.constant false
    %jit3A_1125 = arith.constant 261592 : i32
    %select_n3A_1126 = arith.select %jit3A_1124, %jit3A_1125, %select_n3A_1123 : i32
    %jit3A_1127 = arith.constant false
    %jit3A_1128 = arith.constant 246224 : i32
    %select_n3A_1129 = arith.select %jit3A_1127, %jit3A_1128, %select_n3A_1126 : i32
    %jit3A_1130 = arith.constant false
    %jit3A_1131 = arith.constant 133528 : i32
    %select_n3A_1132 = arith.select %jit3A_1130, %jit3A_1131, %select_n3A_1129 : i32
    %jit3A_1133 = arith.constant false
    %jit3A_1134 = arith.constant 37264 : i32
    %select_n3A_1135 = arith.select %jit3A_1133, %jit3A_1134, %select_n3A_1132 : i32
    %jit3A_1136 = arith.constant false
    %jit3A_1137 = arith.constant 131440 : i32
    %select_n3A_1138 = arith.select %jit3A_1136, %jit3A_1137, %select_n3A_1135 : i32
    %jit3A_1139 = arith.constant false
    %jit3A_1140 = arith.constant 18752 : i32
    %select_n3A_1141 = arith.select %jit3A_1139, %jit3A_1140, %select_n3A_1138 : i32
    %jit3A_1142 = arith.constant false
    %jit3A_1143 = arith.constant 103736 : i32
    %select_n3A_1144 = arith.select %jit3A_1142, %jit3A_1143, %select_n3A_1141 : i32
    %jit3A_1145 = arith.constant false
    %jit3A_1146 = arith.constant 213296 : i32
    %select_n3A_1147 = arith.select %jit3A_1145, %jit3A_1146, %select_n3A_1144 : i32
    %jit3A_1148 = arith.constant false
    %jit3A_1149 = arith.constant 8480 : i32
    %select_n3A_1150 = arith.select %jit3A_1148, %jit3A_1149, %select_n3A_1147 : i32
    %jit3A_1151 = arith.constant false
    %jit3A_1152 = arith.constant 106760 : i32
    %select_n3A_1153 = arith.select %jit3A_1151, %jit3A_1152, %select_n3A_1150 : i32
    %jit3A_1154 = arith.constant false
    %jit3A_1155 = arith.constant 133304 : i32
    %select_n3A_1156 = arith.select %jit3A_1154, %jit3A_1155, %select_n3A_1153 : i32
    %jit3A_1157 = arith.constant false
    %jit3A_1158 = arith.constant 37040 : i32
    %select_n3A_1159 = arith.select %jit3A_1157, %jit3A_1158, %select_n3A_1156 : i32
    %jit3A_1160 = arith.constant false
    %jit3A_1161 = arith.constant 4240 : i32
    %select_n3A_1162 = arith.select %jit3A_1160, %jit3A_1161, %select_n3A_1159 : i32
    %jit3A_1163 = arith.constant false
    %jit3A_1164 = arith.constant 140376 : i32
    %select_n3A_1165 = arith.select %jit3A_1163, %jit3A_1164, %select_n3A_1162 : i32
    %jit3A_1166 = arith.constant false
    %jit3A_1167 = arith.constant 154704 : i32
    %select_n3A_1168 = arith.select %jit3A_1166, %jit3A_1167, %select_n3A_1165 : i32
    %jit3A_1169 = arith.constant false
    %jit3A_1170 = arith.constant 65608 : i32
    %select_n3A_1171 = arith.select %jit3A_1169, %jit3A_1170, %select_n3A_1168 : i32
    %jit3A_1172 = arith.constant true
    %jit3A_1173 = arith.constant 32824 : i32
    %select_n3A_1174 = arith.select %jit3A_1172, %jit3A_1173, %select_n3A_1171 : i32
    %jit3A_1175 = arith.constant false
    %jit3A_1176 = arith.constant 1064 : i32
    %select_n3A_1177 = arith.select %jit3A_1175, %jit3A_1176, %select_n3A_1174 : i32
    %jit3A_1178 = arith.constant false
    %jit3A_1179 = arith.constant 163872 : i32
    %select_n3A_1180 = arith.select %jit3A_1178, %jit3A_1179, %select_n3A_1177 : i32
    %jit3A_1181 = arith.constant false
    %jit3A_1182 = arith.constant 2064 : i32
    %select_n3A_1183 = arith.select %jit3A_1181, %jit3A_1182, %select_n3A_1180 : i32
    %jit3A_1184 = arith.constant false
    %jit3A_1185 = arith.constant 98312 : i32
    %select_n3A_1186 = arith.select %jit3A_1184, %jit3A_1185, %select_n3A_1183 : i32
    %jit3A_1187 = arith.constant false
    %jit3A_1188 = arith.constant 1024 : i32
    %select_n3A_1189 = arith.select %jit3A_1187, %jit3A_1188, %select_n3A_1186 : i32
    %shift_right_arithmetic3A_1190 = arith.constant 18 : i32
    %shift_right_arithmetic3A_1191 = arith.shrsi %select_n3A_1189, %shift_right_arithmetic3A_1190 : i32
    %and3A_1192 = arith.constant 1023 : i32
    %and3A_1193 = arith.andi %select_n3A_1189, %and3A_1192 : i32
    %shift_right_arithmetic3A_1194 = arith.constant 10 : i32
    %shift_right_arithmetic3A_1195 = arith.shrsi %select_n3A_1189, %shift_right_arithmetic3A_1194 : i32
    %and3A_1196 = arith.constant 255 : i32
    %and3A_1197 = arith.andi %shift_right_arithmetic3A_1195, %and3A_1196 : i32
    %multiple_of3A_1198 = tpu.assume_multiple %and3A_1193, 8 : i32
    %dma_start3A_1199 = arith.constant 5 : i32
    %dma_start3A_1200 = arith.constant 5 : i32
    %dma_start3A_1201 = arith.constant 0 : i32
    %dma_start3A_1202 = arith.constant 0 : i32
    %dma_start3A_1203 = tpu.memref_slice %arg4[%dma_start3A_1199, %dma_start3A_1201, %dma_start3A_1202] : memref<8x8x1024xf32, #tpu.memory_space<vmem>> -> memref<1x8x1024xf32, #tpu.memory_space<vmem>>
    %dma_start3A_1204 = tpu.memref_squeeze %dma_start3A_1203 : memref<1x8x1024xf32, #tpu.memory_space<vmem>> -> memref<8x1024xf32, #tpu.memory_space<vmem>>
    %dma_start3A_1205 = tpu.memref_slice %arg2[%shift_right_arithmetic3A_1191, %multiple_of3A_1198, %mul3A_2] : memref<3x543x32768xf32, #tpu.memory_space<hbm>> -> memref<1x8x1024xf32, #tpu.memory_space<hbm>>
    %dma_start3A_1206 = tpu.memref_squeeze %dma_start3A_1205 : memref<1x8x1024xf32, #tpu.memory_space<hbm>> -> memref<8x1024xf32, #tpu.memory_space<hbm>>
    %dma_start3A_1207 = tpu.memref_slice %arg6[%dma_start3A_1200] : memref<8x!tpu.dma_semaphore, #tpu.memory_space<semaphore_mem>> -> memref<1x!tpu.dma_semaphore, #tpu.memory_space<semaphore_mem>>
    %dma_start3A_1208 = tpu.memref_squeeze %dma_start3A_1207 : memref<1x!tpu.dma_semaphore, #tpu.memory_space<semaphore_mem>> -> memref<!tpu.dma_semaphore, #tpu.memory_space<semaphore_mem>>
    %dma_start3A_1209 = arith.constant 0 : i32
    %dma_start3A_1210 = arith.constant 0 : i32
    %dma_start3A_1211 = tpu.memref_slice %arg4[%dma_start3A_1199, %dma_start3A_1209, %dma_start3A_1210] : memref<8x8x1024xf32, #tpu.memory_space<vmem>> -> memref<1x8x1024xf32, #tpu.memory_space<vmem>>
    %dma_start3A_1212 = tpu.memref_squeeze %dma_start3A_1211 : memref<1x8x1024xf32, #tpu.memory_space<vmem>> -> memref<8x1024xf32, #tpu.memory_space<vmem>>
    %dma_start3A_1213 = tpu.memref_slice %arg2[%shift_right_arithmetic3A_1191, %multiple_of3A_1198, %mul3A_2] : memref<3x543x32768xf32, #tpu.memory_space<hbm>> -> memref<1x8x1024xf32, #tpu.memory_space<hbm>>
    %dma_start3A_1214 = tpu.memref_squeeze %dma_start3A_1213 : memref<1x8x1024xf32, #tpu.memory_space<hbm>> -> memref<8x1024xf32, #tpu.memory_space<hbm>>
    tpu.enqueue_dma source(%dma_start3A_1214 : memref<8x1024xf32, #tpu.memory_space<hbm>>) target(%dma_start3A_1212 : memref<8x1024xf32, #tpu.memory_space<vmem>>) target_semaphore(%dma_start3A_1208 : memref<!tpu.dma_semaphore, #tpu.memory_space<semaphore_mem>>)
    %jit3A_1215 = arith.constant false
    %jit3A_1216 = arith.constant 130584 : i32
    %jit3A_1217 = arith.constant 392728 : i32
    %select_n3A_1218 = arith.select %jit3A_1215, %jit3A_1216, %jit3A_1217 : i32
    %jit3A_1219 = arith.constant false
    %jit3A_1220 = arith.constant 523792 : i32
    %select_n3A_1221 = arith.select %jit3A_1219, %jit3A_1220, %select_n3A_1218 : i32
    %jit3A_1222 = arith.constant false
    %jit3A_1223 = arith.constant 523784 : i32
    %select_n3A_1224 = arith.select %jit3A_1222, %jit3A_1223, %select_n3A_1221 : i32
    %jit3A_1225 = arith.constant false
    %jit3A_1226 = arith.constant 523776 : i32
    %select_n3A_1227 = arith.select %jit3A_1225, %jit3A_1226, %select_n3A_1224 : i32
    %jit3A_1228 = arith.constant false
    %jit3A_1229 = arith.constant 523768 : i32
    %select_n3A_1230 = arith.select %jit3A_1228, %jit3A_1229, %select_n3A_1227 : i32
    %jit3A_1231 = arith.constant false
    %jit3A_1232 = arith.constant 523760 : i32
    %select_n3A_1233 = arith.select %jit3A_1231, %jit3A_1232, %select_n3A_1230 : i32
    %jit3A_1234 = arith.constant false
    %jit3A_1235 = arith.constant 523752 : i32
    %select_n3A_1236 = arith.select %jit3A_1234, %jit3A_1235, %select_n3A_1233 : i32
    %jit3A_1237 = arith.constant false
    %jit3A_1238 = arith.constant 523744 : i32
    %select_n3A_1239 = arith.select %jit3A_1237, %jit3A_1238, %select_n3A_1236 : i32
    %jit3A_1240 = arith.constant false
    %jit3A_1241 = arith.constant 523736 : i32
    %select_n3A_1242 = arith.select %jit3A_1240, %jit3A_1241, %select_n3A_1239 : i32
    %jit3A_1243 = arith.constant false
    %jit3A_1244 = arith.constant 508368 : i32
    %select_n3A_1245 = arith.select %jit3A_1243, %jit3A_1244, %select_n3A_1242 : i32
    %jit3A_1246 = arith.constant false
    %jit3A_1247 = arith.constant 395672 : i32
    %select_n3A_1248 = arith.select %jit3A_1246, %jit3A_1247, %select_n3A_1245 : i32
    %jit3A_1249 = arith.constant false
    %jit3A_1250 = arith.constant 299408 : i32
    %select_n3A_1251 = arith.select %jit3A_1249, %jit3A_1250, %select_n3A_1248 : i32
    %jit3A_1252 = arith.constant false
    %jit3A_1253 = arith.constant 393584 : i32
    %select_n3A_1254 = arith.select %jit3A_1252, %jit3A_1253, %select_n3A_1251 : i32
    %jit3A_1255 = arith.constant false
    %jit3A_1256 = arith.constant 280896 : i32
    %select_n3A_1257 = arith.select %jit3A_1255, %jit3A_1256, %select_n3A_1254 : i32
    %jit3A_1258 = arith.constant false
    %jit3A_1259 = arith.constant 365880 : i32
    %select_n3A_1260 = arith.select %jit3A_1258, %jit3A_1259, %select_n3A_1257 : i32
    %jit3A_1261 = arith.constant false
    %jit3A_1262 = arith.constant 475440 : i32
    %select_n3A_1263 = arith.select %jit3A_1261, %jit3A_1262, %select_n3A_1260 : i32
    %jit3A_1264 = arith.constant false
    %jit3A_1265 = arith.constant 270624 : i32
    %select_n3A_1266 = arith.select %jit3A_1264, %jit3A_1265, %select_n3A_1263 : i32
    %jit3A_1267 = arith.constant false
    %jit3A_1268 = arith.constant 368904 : i32
    %select_n3A_1269 = arith.select %jit3A_1267, %jit3A_1268, %select_n3A_1266 : i32
    %jit3A_1270 = arith.constant false
    %jit3A_1271 = arith.constant 395448 : i32
    %select_n3A_1272 = arith.select %jit3A_1270, %jit3A_1271, %select_n3A_1269 : i32
    %jit3A_1273 = arith.constant false
    %jit3A_1274 = arith.constant 299184 : i32
    %select_n3A_1275 = arith.select %jit3A_1273, %jit3A_1274, %select_n3A_1272 : i32
    %jit3A_1276 = arith.constant false
    %jit3A_1277 = arith.constant 266384 : i32
    %select_n3A_1278 = arith.select %jit3A_1276, %jit3A_1277, %select_n3A_1275 : i32
    %jit3A_1279 = arith.constant false
    %jit3A_1280 = arith.constant 402520 : i32
    %select_n3A_1281 = arith.select %jit3A_1279, %jit3A_1280, %select_n3A_1278 : i32
    %jit3A_1282 = arith.constant false
    %jit3A_1283 = arith.constant 416848 : i32
    %select_n3A_1284 = arith.select %jit3A_1282, %jit3A_1283, %select_n3A_1281 : i32
    %jit3A_1285 = arith.constant false
    %jit3A_1286 = arith.constant 327752 : i32
    %select_n3A_1287 = arith.select %jit3A_1285, %jit3A_1286, %select_n3A_1284 : i32
    %jit3A_1288 = arith.constant false
    %jit3A_1289 = arith.constant 294968 : i32
    %select_n3A_1290 = arith.select %jit3A_1288, %jit3A_1289, %select_n3A_1287 : i32
    %jit3A_1291 = arith.constant false
    %jit3A_1292 = arith.constant 263208 : i32
    %select_n3A_1293 = arith.select %jit3A_1291, %jit3A_1292, %select_n3A_1290 : i32
    %jit3A_1294 = arith.constant false
    %jit3A_1295 = arith.constant 426016 : i32
    %select_n3A_1296 = arith.select %jit3A_1294, %jit3A_1295, %select_n3A_1293 : i32
    %jit3A_1297 = arith.constant false
    %jit3A_1298 = arith.constant 264208 : i32
    %select_n3A_1299 = arith.select %jit3A_1297, %jit3A_1298, %select_n3A_1296 : i32
    %jit3A_1300 = arith.constant false
    %jit3A_1301 = arith.constant 360456 : i32
    %select_n3A_1302 = arith.select %jit3A_1300, %jit3A_1301, %select_n3A_1299 : i32
    %jit3A_1303 = arith.constant false
    %jit3A_1304 = arith.constant 263168 : i32
    %select_n3A_1305 = arith.select %jit3A_1303, %jit3A_1304, %select_n3A_1302 : i32
    %jit3A_1306 = arith.constant false
    %jit3A_1307 = arith.constant 261648 : i32
    %select_n3A_1308 = arith.select %jit3A_1306, %jit3A_1307, %select_n3A_1305 : i32
    %jit3A_1309 = arith.constant false
    %jit3A_1310 = arith.constant 261640 : i32
    %select_n3A_1311 = arith.select %jit3A_1309, %jit3A_1310, %select_n3A_1308 : i32
    %jit3A_1312 = arith.constant false
    %jit3A_1313 = arith.constant 261632 : i32
    %select_n3A_1314 = arith.select %jit3A_1312, %jit3A_1313, %select_n3A_1311 : i32
    %jit3A_1315 = arith.constant false
    %jit3A_1316 = arith.constant 261624 : i32
    %select_n3A_1317 = arith.select %jit3A_1315, %jit3A_1316, %select_n3A_1314 : i32
    %jit3A_1318 = arith.constant false
    %jit3A_1319 = arith.constant 261616 : i32
    %select_n3A_1320 = arith.select %jit3A_1318, %jit3A_1319, %select_n3A_1317 : i32
    %jit3A_1321 = arith.constant false
    %jit3A_1322 = arith.constant 261608 : i32
    %select_n3A_1323 = arith.select %jit3A_1321, %jit3A_1322, %select_n3A_1320 : i32
    %jit3A_1324 = arith.constant false
    %jit3A_1325 = arith.constant 261600 : i32
    %select_n3A_1326 = arith.select %jit3A_1324, %jit3A_1325, %select_n3A_1323 : i32
    %jit3A_1327 = arith.constant false
    %jit3A_1328 = arith.constant 261592 : i32
    %select_n3A_1329 = arith.select %jit3A_1327, %jit3A_1328, %select_n3A_1326 : i32
    %jit3A_1330 = arith.constant false
    %jit3A_1331 = arith.constant 246224 : i32
    %select_n3A_1332 = arith.select %jit3A_1330, %jit3A_1331, %select_n3A_1329 : i32
    %jit3A_1333 = arith.constant false
    %jit3A_1334 = arith.constant 133528 : i32
    %select_n3A_1335 = arith.select %jit3A_1333, %jit3A_1334, %select_n3A_1332 : i32
    %jit3A_1336 = arith.constant false
    %jit3A_1337 = arith.constant 37264 : i32
    %select_n3A_1338 = arith.select %jit3A_1336, %jit3A_1337, %select_n3A_1335 : i32
    %jit3A_1339 = arith.constant false
    %jit3A_1340 = arith.constant 131440 : i32
    %select_n3A_1341 = arith.select %jit3A_1339, %jit3A_1340, %select_n3A_1338 : i32
    %jit3A_1342 = arith.constant false
    %jit3A_1343 = arith.constant 18752 : i32
    %select_n3A_1344 = arith.select %jit3A_1342, %jit3A_1343, %select_n3A_1341 : i32
    %jit3A_1345 = arith.constant false
    %jit3A_1346 = arith.constant 103736 : i32
    %select_n3A_1347 = arith.select %jit3A_1345, %jit3A_1346, %select_n3A_1344 : i32
    %jit3A_1348 = arith.constant false
    %jit3A_1349 = arith.constant 213296 : i32
    %select_n3A_1350 = arith.select %jit3A_1348, %jit3A_1349, %select_n3A_1347 : i32
    %jit3A_1351 = arith.constant false
    %jit3A_1352 = arith.constant 8480 : i32
    %select_n3A_1353 = arith.select %jit3A_1351, %jit3A_1352, %select_n3A_1350 : i32
    %jit3A_1354 = arith.constant false
    %jit3A_1355 = arith.constant 106760 : i32
    %select_n3A_1356 = arith.select %jit3A_1354, %jit3A_1355, %select_n3A_1353 : i32
    %jit3A_1357 = arith.constant false
    %jit3A_1358 = arith.constant 133304 : i32
    %select_n3A_1359 = arith.select %jit3A_1357, %jit3A_1358, %select_n3A_1356 : i32
    %jit3A_1360 = arith.constant false
    %jit3A_1361 = arith.constant 37040 : i32
    %select_n3A_1362 = arith.select %jit3A_1360, %jit3A_1361, %select_n3A_1359 : i32
    %jit3A_1363 = arith.constant false
    %jit3A_1364 = arith.constant 4240 : i32
    %select_n3A_1365 = arith.select %jit3A_1363, %jit3A_1364, %select_n3A_1362 : i32
    %jit3A_1366 = arith.constant false
    %jit3A_1367 = arith.constant 140376 : i32
    %select_n3A_1368 = arith.select %jit3A_1366, %jit3A_1367, %select_n3A_1365 : i32
    %jit3A_1369 = arith.constant false
    %jit3A_1370 = arith.constant 154704 : i32
    %select_n3A_1371 = arith.select %jit3A_1369, %jit3A_1370, %select_n3A_1368 : i32
    %jit3A_1372 = arith.constant true
    %jit3A_1373 = arith.constant 65608 : i32
    %select_n3A_1374 = arith.select %jit3A_1372, %jit3A_1373, %select_n3A_1371 : i32
    %jit3A_1375 = arith.constant false
    %jit3A_1376 = arith.constant 32824 : i32
    %select_n3A_1377 = arith.select %jit3A_1375, %jit3A_1376, %select_n3A_1374 : i32
    %jit3A_1378 = arith.constant false
    %jit3A_1379 = arith.constant 1064 : i32
    %select_n3A_1380 = arith.select %jit3A_1378, %jit3A_1379, %select_n3A_1377 : i32
    %jit3A_1381 = arith.constant false
    %jit3A_1382 = arith.constant 163872 : i32
    %select_n3A_1383 = arith.select %jit3A_1381, %jit3A_1382, %select_n3A_1380 : i32
    %jit3A_1384 = arith.constant false
    %jit3A_1385 = arith.constant 2064 : i32
    %select_n3A_1386 = arith.select %jit3A_1384, %jit3A_1385, %select_n3A_1383 : i32
    %jit3A_1387 = arith.constant false
    %jit3A_1388 = arith.constant 98312 : i32
    %select_n3A_1389 = arith.select %jit3A_1387, %jit3A_1388, %select_n3A_1386 : i32
    %jit3A_1390 = arith.constant false
    %jit3A_1391 = arith.constant 1024 : i32
    %select_n3A_1392 = arith.select %jit3A_1390, %jit3A_1391, %select_n3A_1389 : i32
    %shift_right_arithmetic3A_1393 = arith.constant 18 : i32
    %shift_right_arithmetic3A_1394 = arith.shrsi %select_n3A_1392, %shift_right_arithmetic3A_1393 : i32
    %and3A_1395 = arith.constant 1023 : i32
    %and3A_1396 = arith.andi %select_n3A_1392, %and3A_1395 : i32
    %shift_right_arithmetic3A_1397 = arith.constant 10 : i32
    %shift_right_arithmetic3A_1398 = arith.shrsi %select_n3A_1392, %shift_right_arithmetic3A_1397 : i32
    %and3A_1399 = arith.constant 255 : i32
    %and3A_1400 = arith.andi %shift_right_arithmetic3A_1398, %and3A_1399 : i32
    %multiple_of3A_1401 = tpu.assume_multiple %and3A_1396, 8 : i32
    %dma_start3A_1402 = arith.constant 6 : i32
    %dma_start3A_1403 = arith.constant 6 : i32
    %dma_start3A_1404 = arith.constant 0 : i32
    %dma_start3A_1405 = arith.constant 0 : i32
    %dma_start3A_1406 = tpu.memref_slice %arg4[%dma_start3A_1402, %dma_start3A_1404, %dma_start3A_1405] : memref<8x8x1024xf32, #tpu.memory_space<vmem>> -> memref<1x8x1024xf32, #tpu.memory_space<vmem>>
    %dma_start3A_1407 = tpu.memref_squeeze %dma_start3A_1406 : memref<1x8x1024xf32, #tpu.memory_space<vmem>> -> memref<8x1024xf32, #tpu.memory_space<vmem>>
    %dma_start3A_1408 = tpu.memref_slice %arg2[%shift_right_arithmetic3A_1394, %multiple_of3A_1401, %mul3A_2] : memref<3x543x32768xf32, #tpu.memory_space<hbm>> -> memref<1x8x1024xf32, #tpu.memory_space<hbm>>
    %dma_start3A_1409 = tpu.memref_squeeze %dma_start3A_1408 : memref<1x8x1024xf32, #tpu.memory_space<hbm>> -> memref<8x1024xf32, #tpu.memory_space<hbm>>
    %dma_start3A_1410 = tpu.memref_slice %arg6[%dma_start3A_1403] : memref<8x!tpu.dma_semaphore, #tpu.memory_space<semaphore_mem>> -> memref<1x!tpu.dma_semaphore, #tpu.memory_space<semaphore_mem>>
    %dma_start3A_1411 = tpu.memref_squeeze %dma_start3A_1410 : memref<1x!tpu.dma_semaphore, #tpu.memory_space<semaphore_mem>> -> memref<!tpu.dma_semaphore, #tpu.memory_space<semaphore_mem>>
    %dma_start3A_1412 = arith.constant 0 : i32
    %dma_start3A_1413 = arith.constant 0 : i32
    %dma_start3A_1414 = tpu.memref_slice %arg4[%dma_start3A_1402, %dma_start3A_1412, %dma_start3A_1413] : memref<8x8x1024xf32, #tpu.memory_space<vmem>> -> memref<1x8x1024xf32, #tpu.memory_space<vmem>>
    %dma_start3A_1415 = tpu.memref_squeeze %dma_start3A_1414 : memref<1x8x1024xf32, #tpu.memory_space<vmem>> -> memref<8x1024xf32, #tpu.memory_space<vmem>>
    %dma_start3A_1416 = tpu.memref_slice %arg2[%shift_right_arithmetic3A_1394, %multiple_of3A_1401, %mul3A_2] : memref<3x543x32768xf32, #tpu.memory_space<hbm>> -> memref<1x8x1024xf32, #tpu.memory_space<hbm>>
    %dma_start3A_1417 = tpu.memref_squeeze %dma_start3A_1416 : memref<1x8x1024xf32, #tpu.memory_space<hbm>> -> memref<8x1024xf32, #tpu.memory_space<hbm>>
    tpu.enqueue_dma source(%dma_start3A_1417 : memref<8x1024xf32, #tpu.memory_space<hbm>>) target(%dma_start3A_1415 : memref<8x1024xf32, #tpu.memory_space<vmem>>) target_semaphore(%dma_start3A_1411 : memref<!tpu.dma_semaphore, #tpu.memory_space<semaphore_mem>>)
    %jit3A_1418 = arith.constant false
    %jit3A_1419 = arith.constant 130584 : i32
    %jit3A_1420 = arith.constant 392728 : i32
    %select_n3A_1421 = arith.select %jit3A_1418, %jit3A_1419, %jit3A_1420 : i32
    %jit3A_1422 = arith.constant false
    %jit3A_1423 = arith.constant 523792 : i32
    %select_n3A_1424 = arith.select %jit3A_1422, %jit3A_1423, %select_n3A_1421 : i32
    %jit3A_1425 = arith.constant false
    %jit3A_1426 = arith.constant 523784 : i32
    %select_n3A_1427 = arith.select %jit3A_1425, %jit3A_1426, %select_n3A_1424 : i32
    %jit3A_1428 = arith.constant false
    %jit3A_1429 = arith.constant 523776 : i32
    %select_n3A_1430 = arith.select %jit3A_1428, %jit3A_1429, %select_n3A_1427 : i32
    %jit3A_1431 = arith.constant false
    %jit3A_1432 = arith.constant 523768 : i32
    %select_n3A_1433 = arith.select %jit3A_1431, %jit3A_1432, %select_n3A_1430 : i32
    %jit3A_1434 = arith.constant false
    %jit3A_1435 = arith.constant 523760 : i32
    %select_n3A_1436 = arith.select %jit3A_1434, %jit3A_1435, %select_n3A_1433 : i32
    %jit3A_1437 = arith.constant false
    %jit3A_1438 = arith.constant 523752 : i32
    %select_n3A_1439 = arith.select %jit3A_1437, %jit3A_1438, %select_n3A_1436 : i32
    %jit3A_1440 = arith.constant false
    %jit3A_1441 = arith.constant 523744 : i32
    %select_n3A_1442 = arith.select %jit3A_1440, %jit3A_1441, %select_n3A_1439 : i32
    %jit3A_1443 = arith.constant false
    %jit3A_1444 = arith.constant 523736 : i32
    %select_n3A_1445 = arith.select %jit3A_1443, %jit3A_1444, %select_n3A_1442 : i32
    %jit3A_1446 = arith.constant false
    %jit3A_1447 = arith.constant 508368 : i32
    %select_n3A_1448 = arith.select %jit3A_1446, %jit3A_1447, %select_n3A_1445 : i32
    %jit3A_1449 = arith.constant false
    %jit3A_1450 = arith.constant 395672 : i32
    %select_n3A_1451 = arith.select %jit3A_1449, %jit3A_1450, %select_n3A_1448 : i32
    %jit3A_1452 = arith.constant false
    %jit3A_1453 = arith.constant 299408 : i32
    %select_n3A_1454 = arith.select %jit3A_1452, %jit3A_1453, %select_n3A_1451 : i32
    %jit3A_1455 = arith.constant false
    %jit3A_1456 = arith.constant 393584 : i32
    %select_n3A_1457 = arith.select %jit3A_1455, %jit3A_1456, %select_n3A_1454 : i32
    %jit3A_1458 = arith.constant false
    %jit3A_1459 = arith.constant 280896 : i32
    %select_n3A_1460 = arith.select %jit3A_1458, %jit3A_1459, %select_n3A_1457 : i32
    %jit3A_1461 = arith.constant false
    %jit3A_1462 = arith.constant 365880 : i32
    %select_n3A_1463 = arith.select %jit3A_1461, %jit3A_1462, %select_n3A_1460 : i32
    %jit3A_1464 = arith.constant false
    %jit3A_1465 = arith.constant 475440 : i32
    %select_n3A_1466 = arith.select %jit3A_1464, %jit3A_1465, %select_n3A_1463 : i32
    %jit3A_1467 = arith.constant false
    %jit3A_1468 = arith.constant 270624 : i32
    %select_n3A_1469 = arith.select %jit3A_1467, %jit3A_1468, %select_n3A_1466 : i32
    %jit3A_1470 = arith.constant false
    %jit3A_1471 = arith.constant 368904 : i32
    %select_n3A_1472 = arith.select %jit3A_1470, %jit3A_1471, %select_n3A_1469 : i32
    %jit3A_1473 = arith.constant false
    %jit3A_1474 = arith.constant 395448 : i32
    %select_n3A_1475 = arith.select %jit3A_1473, %jit3A_1474, %select_n3A_1472 : i32
    %jit3A_1476 = arith.constant false
    %jit3A_1477 = arith.constant 299184 : i32
    %select_n3A_1478 = arith.select %jit3A_1476, %jit3A_1477, %select_n3A_1475 : i32
    %jit3A_1479 = arith.constant false
    %jit3A_1480 = arith.constant 266384 : i32
    %select_n3A_1481 = arith.select %jit3A_1479, %jit3A_1480, %select_n3A_1478 : i32
    %jit3A_1482 = arith.constant false
    %jit3A_1483 = arith.constant 402520 : i32
    %select_n3A_1484 = arith.select %jit3A_1482, %jit3A_1483, %select_n3A_1481 : i32
    %jit3A_1485 = arith.constant false
    %jit3A_1486 = arith.constant 416848 : i32
    %select_n3A_1487 = arith.select %jit3A_1485, %jit3A_1486, %select_n3A_1484 : i32
    %jit3A_1488 = arith.constant false
    %jit3A_1489 = arith.constant 327752 : i32
    %select_n3A_1490 = arith.select %jit3A_1488, %jit3A_1489, %select_n3A_1487 : i32
    %jit3A_1491 = arith.constant false
    %jit3A_1492 = arith.constant 294968 : i32
    %select_n3A_1493 = arith.select %jit3A_1491, %jit3A_1492, %select_n3A_1490 : i32
    %jit3A_1494 = arith.constant false
    %jit3A_1495 = arith.constant 263208 : i32
    %select_n3A_1496 = arith.select %jit3A_1494, %jit3A_1495, %select_n3A_1493 : i32
    %jit3A_1497 = arith.constant false
    %jit3A_1498 = arith.constant 426016 : i32
    %select_n3A_1499 = arith.select %jit3A_1497, %jit3A_1498, %select_n3A_1496 : i32
    %jit3A_1500 = arith.constant false
    %jit3A_1501 = arith.constant 264208 : i32
    %select_n3A_1502 = arith.select %jit3A_1500, %jit3A_1501, %select_n3A_1499 : i32
    %jit3A_1503 = arith.constant false
    %jit3A_1504 = arith.constant 360456 : i32
    %select_n3A_1505 = arith.select %jit3A_1503, %jit3A_1504, %select_n3A_1502 : i32
    %jit3A_1506 = arith.constant false
    %jit3A_1507 = arith.constant 263168 : i32
    %select_n3A_1508 = arith.select %jit3A_1506, %jit3A_1507, %select_n3A_1505 : i32
    %jit3A_1509 = arith.constant false
    %jit3A_1510 = arith.constant 261648 : i32
    %select_n3A_1511 = arith.select %jit3A_1509, %jit3A_1510, %select_n3A_1508 : i32
    %jit3A_1512 = arith.constant false
    %jit3A_1513 = arith.constant 261640 : i32
    %select_n3A_1514 = arith.select %jit3A_1512, %jit3A_1513, %select_n3A_1511 : i32
    %jit3A_1515 = arith.constant false
    %jit3A_1516 = arith.constant 261632 : i32
    %select_n3A_1517 = arith.select %jit3A_1515, %jit3A_1516, %select_n3A_1514 : i32
    %jit3A_1518 = arith.constant false
    %jit3A_1519 = arith.constant 261624 : i32
    %select_n3A_1520 = arith.select %jit3A_1518, %jit3A_1519, %select_n3A_1517 : i32
    %jit3A_1521 = arith.constant false
    %jit3A_1522 = arith.constant 261616 : i32
    %select_n3A_1523 = arith.select %jit3A_1521, %jit3A_1522, %select_n3A_1520 : i32
    %jit3A_1524 = arith.constant false
    %jit3A_1525 = arith.constant 261608 : i32
    %select_n3A_1526 = arith.select %jit3A_1524, %jit3A_1525, %select_n3A_1523 : i32
    %jit3A_1527 = arith.constant false
    %jit3A_1528 = arith.constant 261600 : i32
    %select_n3A_1529 = arith.select %jit3A_1527, %jit3A_1528, %select_n3A_1526 : i32
    %jit3A_1530 = arith.constant false
    %jit3A_1531 = arith.constant 261592 : i32
    %select_n3A_1532 = arith.select %jit3A_1530, %jit3A_1531, %select_n3A_1529 : i32
    %jit3A_1533 = arith.constant false
    %jit3A_1534 = arith.constant 246224 : i32
    %select_n3A_1535 = arith.select %jit3A_1533, %jit3A_1534, %select_n3A_1532 : i32
    %jit3A_1536 = arith.constant false
    %jit3A_1537 = arith.constant 133528 : i32
    %select_n3A_1538 = arith.select %jit3A_1536, %jit3A_1537, %select_n3A_1535 : i32
    %jit3A_1539 = arith.constant false
    %jit3A_1540 = arith.constant 37264 : i32
    %select_n3A_1541 = arith.select %jit3A_1539, %jit3A_1540, %select_n3A_1538 : i32
    %jit3A_1542 = arith.constant false
    %jit3A_1543 = arith.constant 131440 : i32
    %select_n3A_1544 = arith.select %jit3A_1542, %jit3A_1543, %select_n3A_1541 : i32
    %jit3A_1545 = arith.constant false
    %jit3A_1546 = arith.constant 18752 : i32
    %select_n3A_1547 = arith.select %jit3A_1545, %jit3A_1546, %select_n3A_1544 : i32
    %jit3A_1548 = arith.constant false
    %jit3A_1549 = arith.constant 103736 : i32
    %select_n3A_1550 = arith.select %jit3A_1548, %jit3A_1549, %select_n3A_1547 : i32
    %jit3A_1551 = arith.constant false
    %jit3A_1552 = arith.constant 213296 : i32
    %select_n3A_1553 = arith.select %jit3A_1551, %jit3A_1552, %select_n3A_1550 : i32
    %jit3A_1554 = arith.constant false
    %jit3A_1555 = arith.constant 8480 : i32
    %select_n3A_1556 = arith.select %jit3A_1554, %jit3A_1555, %select_n3A_1553 : i32
    %jit3A_1557 = arith.constant false
    %jit3A_1558 = arith.constant 106760 : i32
    %select_n3A_1559 = arith.select %jit3A_1557, %jit3A_1558, %select_n3A_1556 : i32
    %jit3A_1560 = arith.constant false
    %jit3A_1561 = arith.constant 133304 : i32
    %select_n3A_1562 = arith.select %jit3A_1560, %jit3A_1561, %select_n3A_1559 : i32
    %jit3A_1563 = arith.constant false
    %jit3A_1564 = arith.constant 37040 : i32
    %select_n3A_1565 = arith.select %jit3A_1563, %jit3A_1564, %select_n3A_1562 : i32
    %jit3A_1566 = arith.constant false
    %jit3A_1567 = arith.constant 4240 : i32
    %select_n3A_1568 = arith.select %jit3A_1566, %jit3A_1567, %select_n3A_1565 : i32
    %jit3A_1569 = arith.constant false
    %jit3A_1570 = arith.constant 140376 : i32
    %select_n3A_1571 = arith.select %jit3A_1569, %jit3A_1570, %select_n3A_1568 : i32
    %jit3A_1572 = arith.constant true
    %jit3A_1573 = arith.constant 154704 : i32
    %select_n3A_1574 = arith.select %jit3A_1572, %jit3A_1573, %select_n3A_1571 : i32
    %jit3A_1575 = arith.constant false
    %jit3A_1576 = arith.constant 65608 : i32
    %select_n3A_1577 = arith.select %jit3A_1575, %jit3A_1576, %select_n3A_1574 : i32
    %jit3A_1578 = arith.constant false
    %jit3A_1579 = arith.constant 32824 : i32
    %select_n3A_1580 = arith.select %jit3A_1578, %jit3A_1579, %select_n3A_1577 : i32
    %jit3A_1581 = arith.constant false
    %jit3A_1582 = arith.constant 1064 : i32
    %select_n3A_1583 = arith.select %jit3A_1581, %jit3A_1582, %select_n3A_1580 : i32
    %jit3A_1584 = arith.constant false
    %jit3A_1585 = arith.constant 163872 : i32
    %select_n3A_1586 = arith.select %jit3A_1584, %jit3A_1585, %select_n3A_1583 : i32
    %jit3A_1587 = arith.constant false
    %jit3A_1588 = arith.constant 2064 : i32
    %select_n3A_1589 = arith.select %jit3A_1587, %jit3A_1588, %select_n3A_1586 : i32
    %jit3A_1590 = arith.constant false
    %jit3A_1591 = arith.constant 98312 : i32
    %select_n3A_1592 = arith.select %jit3A_1590, %jit3A_1591, %select_n3A_1589 : i32
    %jit3A_1593 = arith.constant false
    %jit3A_1594 = arith.constant 1024 : i32
    %select_n3A_1595 = arith.select %jit3A_1593, %jit3A_1594, %select_n3A_1592 : i32
    %shift_right_arithmetic3A_1596 = arith.constant 18 : i32
    %shift_right_arithmetic3A_1597 = arith.shrsi %select_n3A_1595, %shift_right_arithmetic3A_1596 : i32
    %and3A_1598 = arith.constant 1023 : i32
    %and3A_1599 = arith.andi %select_n3A_1595, %and3A_1598 : i32
    %shift_right_arithmetic3A_1600 = arith.constant 10 : i32
    %shift_right_arithmetic3A_1601 = arith.shrsi %select_n3A_1595, %shift_right_arithmetic3A_1600 : i32
    %and3A_1602 = arith.constant 255 : i32
    %and3A_1603 = arith.andi %shift_right_arithmetic3A_1601, %and3A_1602 : i32
    %multiple_of3A_1604 = tpu.assume_multiple %and3A_1599, 8 : i32
    %dma_start3A_1605 = arith.constant 7 : i32
    %dma_start3A_1606 = arith.constant 7 : i32
    %dma_start3A_1607 = arith.constant 0 : i32
    %dma_start3A_1608 = arith.constant 0 : i32
    %dma_start3A_1609 = tpu.memref_slice %arg4[%dma_start3A_1605, %dma_start3A_1607, %dma_start3A_1608] : memref<8x8x1024xf32, #tpu.memory_space<vmem>> -> memref<1x8x1024xf32, #tpu.memory_space<vmem>>
    %dma_start3A_1610 = tpu.memref_squeeze %dma_start3A_1609 : memref<1x8x1024xf32, #tpu.memory_space<vmem>> -> memref<8x1024xf32, #tpu.memory_space<vmem>>
    %dma_start3A_1611 = tpu.memref_slice %arg2[%shift_right_arithmetic3A_1597, %multiple_of3A_1604, %mul3A_2] : memref<3x543x32768xf32, #tpu.memory_space<hbm>> -> memref<1x8x1024xf32, #tpu.memory_space<hbm>>
    %dma_start3A_1612 = tpu.memref_squeeze %dma_start3A_1611 : memref<1x8x1024xf32, #tpu.memory_space<hbm>> -> memref<8x1024xf32, #tpu.memory_space<hbm>>
    %dma_start3A_1613 = tpu.memref_slice %arg6[%dma_start3A_1606] : memref<8x!tpu.dma_semaphore, #tpu.memory_space<semaphore_mem>> -> memref<1x!tpu.dma_semaphore, #tpu.memory_space<semaphore_mem>>
    %dma_start3A_1614 = tpu.memref_squeeze %dma_start3A_1613 : memref<1x!tpu.dma_semaphore, #tpu.memory_space<semaphore_mem>> -> memref<!tpu.dma_semaphore, #tpu.memory_space<semaphore_mem>>
    %dma_start3A_1615 = arith.constant 0 : i32
    %dma_start3A_1616 = arith.constant 0 : i32
    %dma_start3A_1617 = tpu.memref_slice %arg4[%dma_start3A_1605, %dma_start3A_1615, %dma_start3A_1616] : memref<8x8x1024xf32, #tpu.memory_space<vmem>> -> memref<1x8x1024xf32, #tpu.memory_space<vmem>>
    %dma_start3A_1618 = tpu.memref_squeeze %dma_start3A_1617 : memref<1x8x1024xf32, #tpu.memory_space<vmem>> -> memref<8x1024xf32, #tpu.memory_space<vmem>>
    %dma_start3A_1619 = tpu.memref_slice %arg2[%shift_right_arithmetic3A_1597, %multiple_of3A_1604, %mul3A_2] : memref<3x543x32768xf32, #tpu.memory_space<hbm>> -> memref<1x8x1024xf32, #tpu.memory_space<hbm>>
    %dma_start3A_1620 = tpu.memref_squeeze %dma_start3A_1619 : memref<1x8x1024xf32, #tpu.memory_space<hbm>> -> memref<8x1024xf32, #tpu.memory_space<hbm>>
    tpu.enqueue_dma source(%dma_start3A_1620 : memref<8x1024xf32, #tpu.memory_space<hbm>>) target(%dma_start3A_1618 : memref<8x1024xf32, #tpu.memory_space<vmem>>) target_semaphore(%dma_start3A_1614 : memref<!tpu.dma_semaphore, #tpu.memory_space<semaphore_mem>>)
    %scan3A = arith.constant 0 : i32
    %scan3A_1621 = arith.constant 0 : i32
    %scan3A_1622 = arith.constant 0 : i32
    %scan3A_1623 = arith.constant 60 : i32
    %scan3A_1624 = arith.addi %scan3A_1622, %scan3A_1623 : i32
    %scan3A_1625 = arith.constant 1 : i32
    %scan3A_1626 = scf.for %scan3A_1628 = %scan3A_1622 to %scan3A_1624 step %scan3A_1625 iter_args(%scan3A_1629 = %scan3A_1621) -> (i32)  : i32 {
      %rem3A = arith.constant 8 : i32
      %rem3A_1630 = arith.remsi %scan3A_1628, %rem3A : i32
      %eq3A = arith.constant 58 : i32
      %eq3A_1631 = arith.cmpi eq, %scan3A_1628, %eq3A : i32
      %jit3A_1632 = arith.constant 130584 : i32
      %jit3A_1633 = arith.constant 392728 : i32
      %select_n3A_1634 = arith.select %eq3A_1631, %jit3A_1632, %jit3A_1633 : i32
      %eq3A_1635 = arith.constant 57 : i32
      %eq3A_1636 = arith.cmpi eq, %scan3A_1628, %eq3A_1635 : i32
      %jit3A_1637 = arith.constant 523792 : i32
      %select_n3A_1638 = arith.select %eq3A_1636, %jit3A_1637, %select_n3A_1634 : i32
      %eq3A_1639 = arith.constant 56 : i32
      %eq3A_1640 = arith.cmpi eq, %scan3A_1628, %eq3A_1639 : i32
      %jit3A_1641 = arith.constant 523784 : i32
      %select_n3A_1642 = arith.select %eq3A_1640, %jit3A_1641, %select_n3A_1638 : i32
      %eq3A_1643 = arith.constant 55 : i32
      %eq3A_1644 = arith.cmpi eq, %scan3A_1628, %eq3A_1643 : i32
      %jit3A_1645 = arith.constant 523776 : i32
      %select_n3A_1646 = arith.select %eq3A_1644, %jit3A_1645, %select_n3A_1642 : i32
      %eq3A_1647 = arith.constant 54 : i32
      %eq3A_1648 = arith.cmpi eq, %scan3A_1628, %eq3A_1647 : i32
      %jit3A_1649 = arith.constant 523768 : i32
      %select_n3A_1650 = arith.select %eq3A_1648, %jit3A_1649, %select_n3A_1646 : i32
      %eq3A_1651 = arith.constant 53 : i32
      %eq3A_1652 = arith.cmpi eq, %scan3A_1628, %eq3A_1651 : i32
      %jit3A_1653 = arith.constant 523760 : i32
      %select_n3A_1654 = arith.select %eq3A_1652, %jit3A_1653, %select_n3A_1650 : i32
      %eq3A_1655 = arith.constant 52 : i32
      %eq3A_1656 = arith.cmpi eq, %scan3A_1628, %eq3A_1655 : i32
      %jit3A_1657 = arith.constant 523752 : i32
      %select_n3A_1658 = arith.select %eq3A_1656, %jit3A_1657, %select_n3A_1654 : i32
      %eq3A_1659 = arith.constant 51 : i32
      %eq3A_1660 = arith.cmpi eq, %scan3A_1628, %eq3A_1659 : i32
      %jit3A_1661 = arith.constant 523744 : i32
      %select_n3A_1662 = arith.select %eq3A_1660, %jit3A_1661, %select_n3A_1658 : i32
      %eq3A_1663 = arith.constant 50 : i32
      %eq3A_1664 = arith.cmpi eq, %scan3A_1628, %eq3A_1663 : i32
      %jit3A_1665 = arith.constant 523736 : i32
      %select_n3A_1666 = arith.select %eq3A_1664, %jit3A_1665, %select_n3A_1662 : i32
      %eq3A_1667 = arith.constant 49 : i32
      %eq3A_1668 = arith.cmpi eq, %scan3A_1628, %eq3A_1667 : i32
      %jit3A_1669 = arith.constant 508368 : i32
      %select_n3A_1670 = arith.select %eq3A_1668, %jit3A_1669, %select_n3A_1666 : i32
      %eq3A_1671 = arith.constant 48 : i32
      %eq3A_1672 = arith.cmpi eq, %scan3A_1628, %eq3A_1671 : i32
      %jit3A_1673 = arith.constant 395672 : i32
      %select_n3A_1674 = arith.select %eq3A_1672, %jit3A_1673, %select_n3A_1670 : i32
      %eq3A_1675 = arith.constant 47 : i32
      %eq3A_1676 = arith.cmpi eq, %scan3A_1628, %eq3A_1675 : i32
      %jit3A_1677 = arith.constant 299408 : i32
      %select_n3A_1678 = arith.select %eq3A_1676, %jit3A_1677, %select_n3A_1674 : i32
      %eq3A_1679 = arith.constant 46 : i32
      %eq3A_1680 = arith.cmpi eq, %scan3A_1628, %eq3A_1679 : i32
      %jit3A_1681 = arith.constant 393584 : i32
      %select_n3A_1682 = arith.select %eq3A_1680, %jit3A_1681, %select_n3A_1678 : i32
      %eq3A_1683 = arith.constant 45 : i32
      %eq3A_1684 = arith.cmpi eq, %scan3A_1628, %eq3A_1683 : i32
      %jit3A_1685 = arith.constant 280896 : i32
      %select_n3A_1686 = arith.select %eq3A_1684, %jit3A_1685, %select_n3A_1682 : i32
      %eq3A_1687 = arith.constant 44 : i32
      %eq3A_1688 = arith.cmpi eq, %scan3A_1628, %eq3A_1687 : i32
      %jit3A_1689 = arith.constant 365880 : i32
      %select_n3A_1690 = arith.select %eq3A_1688, %jit3A_1689, %select_n3A_1686 : i32
      %eq3A_1691 = arith.constant 43 : i32
      %eq3A_1692 = arith.cmpi eq, %scan3A_1628, %eq3A_1691 : i32
      %jit3A_1693 = arith.constant 475440 : i32
      %select_n3A_1694 = arith.select %eq3A_1692, %jit3A_1693, %select_n3A_1690 : i32
      %eq3A_1695 = arith.constant 42 : i32
      %eq3A_1696 = arith.cmpi eq, %scan3A_1628, %eq3A_1695 : i32
      %jit3A_1697 = arith.constant 270624 : i32
      %select_n3A_1698 = arith.select %eq3A_1696, %jit3A_1697, %select_n3A_1694 : i32
      %eq3A_1699 = arith.constant 41 : i32
      %eq3A_1700 = arith.cmpi eq, %scan3A_1628, %eq3A_1699 : i32
      %jit3A_1701 = arith.constant 368904 : i32
      %select_n3A_1702 = arith.select %eq3A_1700, %jit3A_1701, %select_n3A_1698 : i32
      %eq3A_1703 = arith.constant 40 : i32
      %eq3A_1704 = arith.cmpi eq, %scan3A_1628, %eq3A_1703 : i32
      %jit3A_1705 = arith.constant 395448 : i32
      %select_n3A_1706 = arith.select %eq3A_1704, %jit3A_1705, %select_n3A_1702 : i32
      %eq3A_1707 = arith.constant 39 : i32
      %eq3A_1708 = arith.cmpi eq, %scan3A_1628, %eq3A_1707 : i32
      %jit3A_1709 = arith.constant 299184 : i32
      %select_n3A_1710 = arith.select %eq3A_1708, %jit3A_1709, %select_n3A_1706 : i32
      %eq3A_1711 = arith.constant 38 : i32
      %eq3A_1712 = arith.cmpi eq, %scan3A_1628, %eq3A_1711 : i32
      %jit3A_1713 = arith.constant 266384 : i32
      %select_n3A_1714 = arith.select %eq3A_1712, %jit3A_1713, %select_n3A_1710 : i32
      %eq3A_1715 = arith.constant 37 : i32
      %eq3A_1716 = arith.cmpi eq, %scan3A_1628, %eq3A_1715 : i32
      %jit3A_1717 = arith.constant 402520 : i32
      %select_n3A_1718 = arith.select %eq3A_1716, %jit3A_1717, %select_n3A_1714 : i32
      %eq3A_1719 = arith.constant 36 : i32
      %eq3A_1720 = arith.cmpi eq, %scan3A_1628, %eq3A_1719 : i32
      %jit3A_1721 = arith.constant 416848 : i32
      %select_n3A_1722 = arith.select %eq3A_1720, %jit3A_1721, %select_n3A_1718 : i32
      %eq3A_1723 = arith.constant 35 : i32
      %eq3A_1724 = arith.cmpi eq, %scan3A_1628, %eq3A_1723 : i32
      %jit3A_1725 = arith.constant 327752 : i32
      %select_n3A_1726 = arith.select %eq3A_1724, %jit3A_1725, %select_n3A_1722 : i32
      %eq3A_1727 = arith.constant 34 : i32
      %eq3A_1728 = arith.cmpi eq, %scan3A_1628, %eq3A_1727 : i32
      %jit3A_1729 = arith.constant 294968 : i32
      %select_n3A_1730 = arith.select %eq3A_1728, %jit3A_1729, %select_n3A_1726 : i32
      %eq3A_1731 = arith.constant 33 : i32
      %eq3A_1732 = arith.cmpi eq, %scan3A_1628, %eq3A_1731 : i32
      %jit3A_1733 = arith.constant 263208 : i32
      %select_n3A_1734 = arith.select %eq3A_1732, %jit3A_1733, %select_n3A_1730 : i32
      %eq3A_1735 = arith.constant 32 : i32
      %eq3A_1736 = arith.cmpi eq, %scan3A_1628, %eq3A_1735 : i32
      %jit3A_1737 = arith.constant 426016 : i32
      %select_n3A_1738 = arith.select %eq3A_1736, %jit3A_1737, %select_n3A_1734 : i32
      %eq3A_1739 = arith.constant 31 : i32
      %eq3A_1740 = arith.cmpi eq, %scan3A_1628, %eq3A_1739 : i32
      %jit3A_1741 = arith.constant 264208 : i32
      %select_n3A_1742 = arith.select %eq3A_1740, %jit3A_1741, %select_n3A_1738 : i32
      %eq3A_1743 = arith.constant 30 : i32
      %eq3A_1744 = arith.cmpi eq, %scan3A_1628, %eq3A_1743 : i32
      %jit3A_1745 = arith.constant 360456 : i32
      %select_n3A_1746 = arith.select %eq3A_1744, %jit3A_1745, %select_n3A_1742 : i32
      %eq3A_1747 = arith.constant 29 : i32
      %eq3A_1748 = arith.cmpi eq, %scan3A_1628, %eq3A_1747 : i32
      %jit3A_1749 = arith.constant 263168 : i32
      %select_n3A_1750 = arith.select %eq3A_1748, %jit3A_1749, %select_n3A_1746 : i32
      %eq3A_1751 = arith.constant 28 : i32
      %eq3A_1752 = arith.cmpi eq, %scan3A_1628, %eq3A_1751 : i32
      %jit3A_1753 = arith.constant 261648 : i32
      %select_n3A_1754 = arith.select %eq3A_1752, %jit3A_1753, %select_n3A_1750 : i32
      %eq3A_1755 = arith.constant 27 : i32
      %eq3A_1756 = arith.cmpi eq, %scan3A_1628, %eq3A_1755 : i32
      %jit3A_1757 = arith.constant 261640 : i32
      %select_n3A_1758 = arith.select %eq3A_1756, %jit3A_1757, %select_n3A_1754 : i32
      %eq3A_1759 = arith.constant 26 : i32
      %eq3A_1760 = arith.cmpi eq, %scan3A_1628, %eq3A_1759 : i32
      %jit3A_1761 = arith.constant 261632 : i32
      %select_n3A_1762 = arith.select %eq3A_1760, %jit3A_1761, %select_n3A_1758 : i32
      %eq3A_1763 = arith.constant 25 : i32
      %eq3A_1764 = arith.cmpi eq, %scan3A_1628, %eq3A_1763 : i32
      %jit3A_1765 = arith.constant 261624 : i32
      %select_n3A_1766 = arith.select %eq3A_1764, %jit3A_1765, %select_n3A_1762 : i32
      %eq3A_1767 = arith.constant 24 : i32
      %eq3A_1768 = arith.cmpi eq, %scan3A_1628, %eq3A_1767 : i32
      %jit3A_1769 = arith.constant 261616 : i32
      %select_n3A_1770 = arith.select %eq3A_1768, %jit3A_1769, %select_n3A_1766 : i32
      %eq3A_1771 = arith.constant 23 : i32
      %eq3A_1772 = arith.cmpi eq, %scan3A_1628, %eq3A_1771 : i32
      %jit3A_1773 = arith.constant 261608 : i32
      %select_n3A_1774 = arith.select %eq3A_1772, %jit3A_1773, %select_n3A_1770 : i32
      %eq3A_1775 = arith.constant 22 : i32
      %eq3A_1776 = arith.cmpi eq, %scan3A_1628, %eq3A_1775 : i32
      %jit3A_1777 = arith.constant 261600 : i32
      %select_n3A_1778 = arith.select %eq3A_1776, %jit3A_1777, %select_n3A_1774 : i32
      %eq3A_1779 = arith.constant 21 : i32
      %eq3A_1780 = arith.cmpi eq, %scan3A_1628, %eq3A_1779 : i32
      %jit3A_1781 = arith.constant 261592 : i32
      %select_n3A_1782 = arith.select %eq3A_1780, %jit3A_1781, %select_n3A_1778 : i32
      %eq3A_1783 = arith.constant 20 : i32
      %eq3A_1784 = arith.cmpi eq, %scan3A_1628, %eq3A_1783 : i32
      %jit3A_1785 = arith.constant 246224 : i32
      %select_n3A_1786 = arith.select %eq3A_1784, %jit3A_1785, %select_n3A_1782 : i32
      %eq3A_1787 = arith.constant 19 : i32
      %eq3A_1788 = arith.cmpi eq, %scan3A_1628, %eq3A_1787 : i32
      %jit3A_1789 = arith.constant 133528 : i32
      %select_n3A_1790 = arith.select %eq3A_1788, %jit3A_1789, %select_n3A_1786 : i32
      %eq3A_1791 = arith.constant 18 : i32
      %eq3A_1792 = arith.cmpi eq, %scan3A_1628, %eq3A_1791 : i32
      %jit3A_1793 = arith.constant 37264 : i32
      %select_n3A_1794 = arith.select %eq3A_1792, %jit3A_1793, %select_n3A_1790 : i32
      %eq3A_1795 = arith.constant 17 : i32
      %eq3A_1796 = arith.cmpi eq, %scan3A_1628, %eq3A_1795 : i32
      %jit3A_1797 = arith.constant 131440 : i32
      %select_n3A_1798 = arith.select %eq3A_1796, %jit3A_1797, %select_n3A_1794 : i32
      %eq3A_1799 = arith.constant 16 : i32
      %eq3A_1800 = arith.cmpi eq, %scan3A_1628, %eq3A_1799 : i32
      %jit3A_1801 = arith.constant 18752 : i32
      %select_n3A_1802 = arith.select %eq3A_1800, %jit3A_1801, %select_n3A_1798 : i32
      %eq3A_1803 = arith.constant 15 : i32
      %eq3A_1804 = arith.cmpi eq, %scan3A_1628, %eq3A_1803 : i32
      %jit3A_1805 = arith.constant 103736 : i32
      %select_n3A_1806 = arith.select %eq3A_1804, %jit3A_1805, %select_n3A_1802 : i32
      %eq3A_1807 = arith.constant 14 : i32
      %eq3A_1808 = arith.cmpi eq, %scan3A_1628, %eq3A_1807 : i32
      %jit3A_1809 = arith.constant 213296 : i32
      %select_n3A_1810 = arith.select %eq3A_1808, %jit3A_1809, %select_n3A_1806 : i32
      %eq3A_1811 = arith.constant 13 : i32
      %eq3A_1812 = arith.cmpi eq, %scan3A_1628, %eq3A_1811 : i32
      %jit3A_1813 = arith.constant 8480 : i32
      %select_n3A_1814 = arith.select %eq3A_1812, %jit3A_1813, %select_n3A_1810 : i32
      %eq3A_1815 = arith.constant 12 : i32
      %eq3A_1816 = arith.cmpi eq, %scan3A_1628, %eq3A_1815 : i32
      %jit3A_1817 = arith.constant 106760 : i32
      %select_n3A_1818 = arith.select %eq3A_1816, %jit3A_1817, %select_n3A_1814 : i32
      %eq3A_1819 = arith.constant 11 : i32
      %eq3A_1820 = arith.cmpi eq, %scan3A_1628, %eq3A_1819 : i32
      %jit3A_1821 = arith.constant 133304 : i32
      %select_n3A_1822 = arith.select %eq3A_1820, %jit3A_1821, %select_n3A_1818 : i32
      %eq3A_1823 = arith.constant 10 : i32
      %eq3A_1824 = arith.cmpi eq, %scan3A_1628, %eq3A_1823 : i32
      %jit3A_1825 = arith.constant 37040 : i32
      %select_n3A_1826 = arith.select %eq3A_1824, %jit3A_1825, %select_n3A_1822 : i32
      %eq3A_1827 = arith.constant 9 : i32
      %eq3A_1828 = arith.cmpi eq, %scan3A_1628, %eq3A_1827 : i32
      %jit3A_1829 = arith.constant 4240 : i32
      %select_n3A_1830 = arith.select %eq3A_1828, %jit3A_1829, %select_n3A_1826 : i32
      %eq3A_1831 = arith.constant 8 : i32
      %eq3A_1832 = arith.cmpi eq, %scan3A_1628, %eq3A_1831 : i32
      %jit3A_1833 = arith.constant 140376 : i32
      %select_n3A_1834 = arith.select %eq3A_1832, %jit3A_1833, %select_n3A_1830 : i32
      %eq3A_1835 = arith.constant 7 : i32
      %eq3A_1836 = arith.cmpi eq, %scan3A_1628, %eq3A_1835 : i32
      %jit3A_1837 = arith.constant 154704 : i32
      %select_n3A_1838 = arith.select %eq3A_1836, %jit3A_1837, %select_n3A_1834 : i32
      %eq3A_1839 = arith.constant 6 : i32
      %eq3A_1840 = arith.cmpi eq, %scan3A_1628, %eq3A_1839 : i32
      %jit3A_1841 = arith.constant 65608 : i32
      %select_n3A_1842 = arith.select %eq3A_1840, %jit3A_1841, %select_n3A_1838 : i32
      %eq3A_1843 = arith.constant 5 : i32
      %eq3A_1844 = arith.cmpi eq, %scan3A_1628, %eq3A_1843 : i32
      %jit3A_1845 = arith.constant 32824 : i32
      %select_n3A_1846 = arith.select %eq3A_1844, %jit3A_1845, %select_n3A_1842 : i32
      %eq3A_1847 = arith.constant 4 : i32
      %eq3A_1848 = arith.cmpi eq, %scan3A_1628, %eq3A_1847 : i32
      %jit3A_1849 = arith.constant 1064 : i32
      %select_n3A_1850 = arith.select %eq3A_1848, %jit3A_1849, %select_n3A_1846 : i32
      %eq3A_1851 = arith.constant 3 : i32
      %eq3A_1852 = arith.cmpi eq, %scan3A_1628, %eq3A_1851 : i32
      %jit3A_1853 = arith.constant 163872 : i32
      %select_n3A_1854 = arith.select %eq3A_1852, %jit3A_1853, %select_n3A_1850 : i32
      %eq3A_1855 = arith.constant 2 : i32
      %eq3A_1856 = arith.cmpi eq, %scan3A_1628, %eq3A_1855 : i32
      %jit3A_1857 = arith.constant 2064 : i32
      %select_n3A_1858 = arith.select %eq3A_1856, %jit3A_1857, %select_n3A_1854 : i32
      %eq3A_1859 = arith.constant 1 : i32
      %eq3A_1860 = arith.cmpi eq, %scan3A_1628, %eq3A_1859 : i32
      %jit3A_1861 = arith.constant 98312 : i32
      %select_n3A_1862 = arith.select %eq3A_1860, %jit3A_1861, %select_n3A_1858 : i32
      %eq3A_1863 = arith.constant 0 : i32
      %eq3A_1864 = arith.cmpi eq, %scan3A_1628, %eq3A_1863 : i32
      %jit3A_1865 = arith.constant 1024 : i32
      %select_n3A_1866 = arith.select %eq3A_1864, %jit3A_1865, %select_n3A_1862 : i32
      %shift_right_arithmetic3A_1867 = arith.constant 18 : i32
      %shift_right_arithmetic3A_1868 = arith.shrsi %select_n3A_1866, %shift_right_arithmetic3A_1867 : i32
      %and3A_1869 = arith.constant 1023 : i32
      %and3A_1870 = arith.andi %select_n3A_1866, %and3A_1869 : i32
      %shift_right_arithmetic3A_1871 = arith.constant 10 : i32
      %shift_right_arithmetic3A_1872 = arith.shrsi %select_n3A_1866, %shift_right_arithmetic3A_1871 : i32
      %and3A_1873 = arith.constant 255 : i32
      %and3A_1874 = arith.andi %shift_right_arithmetic3A_1872, %and3A_1873 : i32
      %lt3A = arith.constant 58 : i32
      %lt3A_1875 = arith.cmpi slt, %scan3A_1628, %lt3A : i32
      %convert_element_type3A = arith.extui %lt3A_1875 : i1 to i32
      %cond3A = arith.constant 0 : i32
      %cond3A_1876 = arith.cmpi ne, %convert_element_type3A, %cond3A : i32
      scf.if %cond3A_1876 {
        %dma_wait3A = arith.constant 0 : i32
        %dma_wait3A_1904 = arith.constant 0 : i32
        %dma_wait3A_1905 = tpu.memref_slice %arg4[%rem3A_1630, %dma_wait3A, %dma_wait3A_1904] : memref<8x8x1024xf32, #tpu.memory_space<vmem>> -> memref<1x8x1024xf32, #tpu.memory_space<vmem>>
        %dma_wait3A_1906 = tpu.memref_squeeze %dma_wait3A_1905 : memref<1x8x1024xf32, #tpu.memory_space<vmem>> -> memref<8x1024xf32, #tpu.memory_space<vmem>>
        %dma_wait3A_1907 = arith.constant 0 : i32
        %dma_wait3A_1908 = arith.constant 0 : i32
        %dma_wait3A_1909 = tpu.memref_slice %arg2[%scan3A, %dma_wait3A_1907, %dma_wait3A_1908] : memref<3x543x32768xf32, #tpu.memory_space<hbm>> -> memref<1x8x1024xf32, #tpu.memory_space<hbm>>
        %dma_wait3A_1910 = tpu.memref_squeeze %dma_wait3A_1909 : memref<1x8x1024xf32, #tpu.memory_space<hbm>> -> memref<8x1024xf32, #tpu.memory_space<hbm>>
        %dma_wait3A_1911 = tpu.memref_slice %arg6[%rem3A_1630] : memref<8x!tpu.dma_semaphore, #tpu.memory_space<semaphore_mem>> -> memref<1x!tpu.dma_semaphore, #tpu.memory_space<semaphore_mem>>
        %dma_wait3A_1912 = tpu.memref_squeeze %dma_wait3A_1911 : memref<1x!tpu.dma_semaphore, #tpu.memory_space<semaphore_mem>> -> memref<!tpu.dma_semaphore, #tpu.memory_space<semaphore_mem>>
        %dma_wait3A_1913 = arith.constant 0 : i32
        %dma_wait3A_1914 = arith.constant 0 : i32
        %dma_wait3A_1915 = tpu.memref_slice %arg4[%rem3A_1630, %dma_wait3A_1913, %dma_wait3A_1914] : memref<8x8x1024xf32, #tpu.memory_space<vmem>> -> memref<1x8x1024xf32, #tpu.memory_space<vmem>>
        %dma_wait3A_1916 = tpu.memref_squeeze %dma_wait3A_1915 : memref<1x8x1024xf32, #tpu.memory_space<vmem>> -> memref<8x1024xf32, #tpu.memory_space<vmem>>
        %dma_wait3A_1917 = arith.constant 0 : i32
        %dma_wait3A_1918 = arith.constant 0 : i32
        %dma_wait3A_1919 = tpu.memref_slice %arg2[%scan3A, %dma_wait3A_1917, %dma_wait3A_1918] : memref<3x543x32768xf32, #tpu.memory_space<hbm>> -> memref<1x8x1024xf32, #tpu.memory_space<hbm>>
        %dma_wait3A_1920 = tpu.memref_squeeze %dma_wait3A_1919 : memref<1x8x1024xf32, #tpu.memory_space<hbm>> -> memref<8x1024xf32, #tpu.memory_space<hbm>>
        tpu.wait_dma2 semaphore(%dma_wait3A_1912 : memref<!tpu.dma_semaphore, #tpu.memory_space<semaphore_mem>>) src(%dma_wait3A_1920 : memref<8x1024xf32, #tpu.memory_space<hbm>>) dst(%dma_wait3A_1916 : memref<8x1024xf32, #tpu.memory_space<vmem>>)
      } else {
      }
      %ge3A = arith.constant 58 : i32
      %ge3A_1877 = arith.cmpi sge, %scan3A_1628, %ge3A : i32
      %convert_element_type3A_1878 = arith.extui %ge3A_1877 : i1 to i32
      %cond3A_1879 = arith.constant 0 : i32
      %cond3A_1880 = arith.cmpi ne, %convert_element_type3A_1878, %cond3A_1879 : i32
      scf.if %cond3A_1880 {
        %dma_wait3A = arith.constant 0 : i32
        %dma_wait3A_1904 = arith.constant 0 : i32
        %dma_wait3A_1905 = arith.constant 0 : i32
        %dma_wait3A_1906 = tpu.memref_slice %arg4[%rem3A_1630, %dma_wait3A_1904, %dma_wait3A_1905] : memref<8x8x1024xf32, #tpu.memory_space<vmem>> -> memref<1x7x1024xf32, #tpu.memory_space<vmem>>
        %dma_wait3A_1907 = tpu.memref_squeeze %dma_wait3A_1906 : memref<1x7x1024xf32, #tpu.memory_space<vmem>> -> memref<7x1024xf32, #tpu.memory_space<vmem>>
        %dma_wait3A_1908 = arith.constant 0 : i32
        %dma_wait3A_1909 = arith.constant 0 : i32
        %dma_wait3A_1910 = tpu.memref_slice %arg2[%dma_wait3A, %dma_wait3A_1908, %dma_wait3A_1909] : memref<3x543x32768xf32, #tpu.memory_space<hbm>> -> memref<1x7x1024xf32, #tpu.memory_space<hbm>>
        %dma_wait3A_1911 = tpu.memref_squeeze %dma_wait3A_1910 : memref<1x7x1024xf32, #tpu.memory_space<hbm>> -> memref<7x1024xf32, #tpu.memory_space<hbm>>
        %dma_wait3A_1912 = tpu.memref_slice %arg6[%rem3A_1630] : memref<8x!tpu.dma_semaphore, #tpu.memory_space<semaphore_mem>> -> memref<1x!tpu.dma_semaphore, #tpu.memory_space<semaphore_mem>>
        %dma_wait3A_1913 = tpu.memref_squeeze %dma_wait3A_1912 : memref<1x!tpu.dma_semaphore, #tpu.memory_space<semaphore_mem>> -> memref<!tpu.dma_semaphore, #tpu.memory_space<semaphore_mem>>
        %dma_wait3A_1914 = arith.constant 0 : i32
        %dma_wait3A_1915 = arith.constant 0 : i32
        %dma_wait3A_1916 = tpu.memref_slice %arg4[%rem3A_1630, %dma_wait3A_1914, %dma_wait3A_1915] : memref<8x8x1024xf32, #tpu.memory_space<vmem>> -> memref<1x7x1024xf32, #tpu.memory_space<vmem>>
        %dma_wait3A_1917 = tpu.memref_squeeze %dma_wait3A_1916 : memref<1x7x1024xf32, #tpu.memory_space<vmem>> -> memref<7x1024xf32, #tpu.memory_space<vmem>>
        %dma_wait3A_1918 = arith.constant 0 : i32
        %dma_wait3A_1919 = arith.constant 0 : i32
        %dma_wait3A_1920 = tpu.memref_slice %arg2[%dma_wait3A, %dma_wait3A_1918, %dma_wait3A_1919] : memref<3x543x32768xf32, #tpu.memory_space<hbm>> -> memref<1x7x1024xf32, #tpu.memory_space<hbm>>
        %dma_wait3A_1921 = tpu.memref_squeeze %dma_wait3A_1920 : memref<1x7x1024xf32, #tpu.memory_space<hbm>> -> memref<7x1024xf32, #tpu.memory_space<hbm>>
        tpu.wait_dma2 semaphore(%dma_wait3A_1913 : memref<!tpu.dma_semaphore, #tpu.memory_space<semaphore_mem>>) src(%dma_wait3A_1921 : memref<7x1024xf32, #tpu.memory_space<hbm>>) dst(%dma_wait3A_1917 : memref<7x1024xf32, #tpu.memory_space<vmem>>)
      } else {
      }
      %scan3A_1881 = arith.constant 0 : i32
      %scan3A_1882 = arith.constant 0 : i32
      %scan3A_1883 = arith.constant 8 : i32
      %scan3A_1884 = arith.addi %scan3A_1882, %scan3A_1883 : i32
      %scan3A_1885 = arith.constant 1 : i32
      %scan3A_1886 = scf.for %scan3A_1904 = %scan3A_1882 to %scan3A_1884 step %scan3A_1885 iter_args(%scan3A_1905 = %scan3A_1881) -> (i32)  : i32 {
        %shift_right_arithmetic3A_1906 = arith.shrsi %and3A_1874, %scan3A_1904 : i32
        %and3A_1907 = arith.constant 1 : i32
        %and3A_1908 = arith.andi %shift_right_arithmetic3A_1906, %and3A_1907 : i32
        %eq3A_1909 = arith.constant 1 : i32
        %eq3A_1910 = arith.cmpi eq, %and3A_1908, %eq3A_1909 : i32
        %convert_element_type3A_1911 = arith.extui %eq3A_1910 : i1 to i32
        %cond3A_1912 = arith.constant 0 : i32
        %cond3A_1913 = arith.cmpi ne, %convert_element_type3A_1911, %cond3A_1912 : i32
        scf.if %cond3A_1913 {
          %broadcast_in_dim3A = arith.constant 0.000000e+00 : f32
          %broadcast_in_dim3A_1915 = vector.broadcast %broadcast_in_dim3A : f32 to vector<16xf32>
          %scan3A_1916 = arith.constant 0 : i32
          %scan3A_1917 = arith.constant 8 : i32
          %scan3A_1918 = arith.addi %scan3A_1916, %scan3A_1917 : i32
          %scan3A_1919 = arith.constant 1 : i32
          %scan3A_1920:16 = scf.for %scan3A_1951 = %scan3A_1916 to %scan3A_1918 step %scan3A_1919 iter_args(%scan3A_1952 = %broadcast_in_dim3A_1915, %scan3A_1953 = %broadcast_in_dim3A_1915, %scan3A_1954 = %broadcast_in_dim3A_1915, %scan3A_1955 = %broadcast_in_dim3A_1915, %scan3A_1956 = %broadcast_in_dim3A_1915, %scan3A_1957 = %broadcast_in_dim3A_1915, %scan3A_1958 = %broadcast_in_dim3A_1915, %scan3A_1959 = %broadcast_in_dim3A_1915, %scan3A_1960 = %broadcast_in_dim3A_1915, %scan3A_1961 = %broadcast_in_dim3A_1915, %scan3A_1962 = %broadcast_in_dim3A_1915, %scan3A_1963 = %broadcast_in_dim3A_1915, %scan3A_1964 = %broadcast_in_dim3A_1915, %scan3A_1965 = %broadcast_in_dim3A_1915, %scan3A_1966 = %broadcast_in_dim3A_1915, %scan3A_1967 = %broadcast_in_dim3A_1915) -> (vector<16xf32>, vector<16xf32>, vector<16xf32>, vector<16xf32>, vector<16xf32>, vector<16xf32>, vector<16xf32>, vector<16xf32>, vector<16xf32>, vector<16xf32>, vector<16xf32>, vector<16xf32>, vector<16xf32>, vector<16xf32>, vector<16xf32>, vector<16xf32>)  : i32 {
            %mul3A_1968 = arith.constant 8 : i32
            %mul3A_1969 = arith.muli %scan3A_1951, %mul3A_1968 : i32
            %add3A_1970 = arith.constant 0 : i32
            %add3A_1971 = arith.addi %mul3A_1969, %add3A_1970 : i32
            %mul3A_1972 = arith.constant 16 : i32
            %mul3A_1973 = arith.muli %add3A_1971, %mul3A_1972 : i32
            %get3A = arith.index_cast %rem3A_1630 : i32 to index
            %get3A_1974 = arith.index_cast %scan3A_1904 : i32 to index
            %get3A_1975 = arith.index_cast %mul3A_1973 : i32 to index
            %get3A_1976 = tpu.vector_load %arg4[%get3A, %get3A_1974, %get3A_1975] {strides = array<i32>} : memref<8x8x1024xf32, #tpu.memory_space<vmem>>, vector<1x1x16xf32>,
            %get3A_1977 = vector.shape_cast %get3A_1976 : vector<1x1x16xf32> to vector<16xf32>
            %add3A_1978 = arith.addf %scan3A_1952, %get3A_1977 : vector<16xf32>
            %mul3A_1979 = arith.mulf %get3A_1977, %get3A_1977 : vector<16xf32>
            %add3A_1980 = arith.addf %scan3A_1960, %mul3A_1979 : vector<16xf32>
            %mul3A_1981 = arith.constant 8 : i32
            %mul3A_1982 = arith.muli %scan3A_1951, %mul3A_1981 : i32
            %add3A_1983 = arith.constant 1 : i32
            %add3A_1984 = arith.addi %mul3A_1982, %add3A_1983 : i32
            %mul3A_1985 = arith.constant 16 : i32
            %mul3A_1986 = arith.muli %add3A_1984, %mul3A_1985 : i32
            %get3A_1987 = arith.index_cast %rem3A_1630 : i32 to index
            %get3A_1988 = arith.index_cast %scan3A_1904 : i32 to index
            %get3A_1989 = arith.index_cast %mul3A_1986 : i32 to index
            %get3A_1990 = tpu.vector_load %arg4[%get3A_1987, %get3A_1988, %get3A_1989] {strides = array<i32>} : memref<8x8x1024xf32, #tpu.memory_space<vmem>>, vector<1x1x16xf32>,
            %get3A_1991 = vector.shape_cast %get3A_1990 : vector<1x1x16xf32> to vector<16xf32>
            %add3A_1992 = arith.addf %scan3A_1953, %get3A_1991 : vector<16xf32>
            %mul3A_1993 = arith.mulf %get3A_1991, %get3A_1991 : vector<16xf32>
            %add3A_1994 = arith.addf %scan3A_1961, %mul3A_1993 : vector<16xf32>
            %mul3A_1995 = arith.constant 8 : i32
            %mul3A_1996 = arith.muli %scan3A_1951, %mul3A_1995 : i32
            %add3A_1997 = arith.constant 2 : i32
            %add3A_1998 = arith.addi %mul3A_1996, %add3A_1997 : i32
            %mul3A_1999 = arith.constant 16 : i32
            %mul3A_2000 = arith.muli %add3A_1998, %mul3A_1999 : i32
            %get3A_2001 = arith.index_cast %rem3A_1630 : i32 to index
            %get3A_2002 = arith.index_cast %scan3A_1904 : i32 to index
            %get3A_2003 = arith.index_cast %mul3A_2000 : i32 to index
            %get3A_2004 = tpu.vector_load %arg4[%get3A_2001, %get3A_2002, %get3A_2003] {strides = array<i32>} : memref<8x8x1024xf32, #tpu.memory_space<vmem>>, vector<1x1x16xf32>,
            %get3A_2005 = vector.shape_cast %get3A_2004 : vector<1x1x16xf32> to vector<16xf32>
            %add3A_2006 = arith.addf %scan3A_1954, %get3A_2005 : vector<16xf32>
            %mul3A_2007 = arith.mulf %get3A_2005, %get3A_2005 : vector<16xf32>
            %add3A_2008 = arith.addf %scan3A_1962, %mul3A_2007 : vector<16xf32>
            %mul3A_2009 = arith.constant 8 : i32
            %mul3A_2010 = arith.muli %scan3A_1951, %mul3A_2009 : i32
            %add3A_2011 = arith.constant 3 : i32
            %add3A_2012 = arith.addi %mul3A_2010, %add3A_2011 : i32
            %mul3A_2013 = arith.constant 16 : i32
            %mul3A_2014 = arith.muli %add3A_2012, %mul3A_2013 : i32
            %get3A_2015 = arith.index_cast %rem3A_1630 : i32 to index
            %get3A_2016 = arith.index_cast %scan3A_1904 : i32 to index
            %get3A_2017 = arith.index_cast %mul3A_2014 : i32 to index
            %get3A_2018 = tpu.vector_load %arg4[%get3A_2015, %get3A_2016, %get3A_2017] {strides = array<i32>} : memref<8x8x1024xf32, #tpu.memory_space<vmem>>, vector<1x1x16xf32>,
            %get3A_2019 = vector.shape_cast %get3A_2018 : vector<1x1x16xf32> to vector<16xf32>
            %add3A_2020 = arith.addf %scan3A_1955, %get3A_2019 : vector<16xf32>
            %mul3A_2021 = arith.mulf %get3A_2019, %get3A_2019 : vector<16xf32>
            %add3A_2022 = arith.addf %scan3A_1963, %mul3A_2021 : vector<16xf32>
            %mul3A_2023 = arith.constant 8 : i32
            %mul3A_2024 = arith.muli %scan3A_1951, %mul3A_2023 : i32
            %add3A_2025 = arith.constant 4 : i32
            %add3A_2026 = arith.addi %mul3A_2024, %add3A_2025 : i32
            %mul3A_2027 = arith.constant 16 : i32
            %mul3A_2028 = arith.muli %add3A_2026, %mul3A_2027 : i32
            %get3A_2029 = arith.index_cast %rem3A_1630 : i32 to index
            %get3A_2030 = arith.index_cast %scan3A_1904 : i32 to index
            %get3A_2031 = arith.index_cast %mul3A_2028 : i32 to index
            %get3A_2032 = tpu.vector_load %arg4[%get3A_2029, %get3A_2030, %get3A_2031] {strides = array<i32>} : memref<8x8x1024xf32, #tpu.memory_space<vmem>>, vector<1x1x16xf32>,
            %get3A_2033 = vector.shape_cast %get3A_2032 : vector<1x1x16xf32> to vector<16xf32>
            %add3A_2034 = arith.addf %scan3A_1956, %get3A_2033 : vector<16xf32>
            %mul3A_2035 = arith.mulf %get3A_2033, %get3A_2033 : vector<16xf32>
            %add3A_2036 = arith.addf %scan3A_1964, %mul3A_2035 : vector<16xf32>
            %mul3A_2037 = arith.constant 8 : i32
            %mul3A_2038 = arith.muli %scan3A_1951, %mul3A_2037 : i32
            %add3A_2039 = arith.constant 5 : i32
            %add3A_2040 = arith.addi %mul3A_2038, %add3A_2039 : i32
            %mul3A_2041 = arith.constant 16 : i32
            %mul3A_2042 = arith.muli %add3A_2040, %mul3A_2041 : i32
            %get3A_2043 = arith.index_cast %rem3A_1630 : i32 to index
            %get3A_2044 = arith.index_cast %scan3A_1904 : i32 to index
            %get3A_2045 = arith.index_cast %mul3A_2042 : i32 to index
            %get3A_2046 = tpu.vector_load %arg4[%get3A_2043, %get3A_2044, %get3A_2045] {strides = array<i32>} : memref<8x8x1024xf32, #tpu.memory_space<vmem>>, vector<1x1x16xf32>,
            %get3A_2047 = vector.shape_cast %get3A_2046 : vector<1x1x16xf32> to vector<16xf32>
            %add3A_2048 = arith.addf %scan3A_1957, %get3A_2047 : vector<16xf32>
            %mul3A_2049 = arith.mulf %get3A_2047, %get3A_2047 : vector<16xf32>
            %add3A_2050 = arith.addf %scan3A_1965, %mul3A_2049 : vector<16xf32>
            %mul3A_2051 = arith.constant 8 : i32
            %mul3A_2052 = arith.muli %scan3A_1951, %mul3A_2051 : i32
            %add3A_2053 = arith.constant 6 : i32
            %add3A_2054 = arith.addi %mul3A_2052, %add3A_2053 : i32
            %mul3A_2055 = arith.constant 16 : i32
            %mul3A_2056 = arith.muli %add3A_2054, %mul3A_2055 : i32
            %get3A_2057 = arith.index_cast %rem3A_1630 : i32 to index
            %get3A_2058 = arith.index_cast %scan3A_1904 : i32 to index
            %get3A_2059 = arith.index_cast %mul3A_2056 : i32 to index
            %get3A_2060 = tpu.vector_load %arg4[%get3A_2057, %get3A_2058, %get3A_2059] {strides = array<i32>} : memref<8x8x1024xf32, #tpu.memory_space<vmem>>, vector<1x1x16xf32>,
            %get3A_2061 = vector.shape_cast %get3A_2060 : vector<1x1x16xf32> to vector<16xf32>
            %add3A_2062 = arith.addf %scan3A_1958, %get3A_2061 : vector<16xf32>
            %mul3A_2063 = arith.mulf %get3A_2061, %get3A_2061 : vector<16xf32>
            %add3A_2064 = arith.addf %scan3A_1966, %mul3A_2063 : vector<16xf32>
            %mul3A_2065 = arith.constant 8 : i32
            %mul3A_2066 = arith.muli %scan3A_1951, %mul3A_2065 : i32
            %add3A_2067 = arith.constant 7 : i32
            %add3A_2068 = arith.addi %mul3A_2066, %add3A_2067 : i32
            %mul3A_2069 = arith.constant 16 : i32
            %mul3A_2070 = arith.muli %add3A_2068, %mul3A_2069 : i32
            %get3A_2071 = arith.index_cast %rem3A_1630 : i32 to index
            %get3A_2072 = arith.index_cast %scan3A_1904 : i32 to index
            %get3A_2073 = arith.index_cast %mul3A_2070 : i32 to index
            %get3A_2074 = tpu.vector_load %arg4[%get3A_2071, %get3A_2072, %get3A_2073] {strides = array<i32>} : memref<8x8x1024xf32, #tpu.memory_space<vmem>>, vector<1x1x16xf32>,
            %get3A_2075 = vector.shape_cast %get3A_2074 : vector<1x1x16xf32> to vector<16xf32>
            %add3A_2076 = arith.addf %scan3A_1959, %get3A_2075 : vector<16xf32>
            %mul3A_2077 = arith.mulf %get3A_2075, %get3A_2075 : vector<16xf32>
            %add3A_2078 = arith.addf %scan3A_1967, %mul3A_2077 : vector<16xf32>
            scf.yield %add3A_1978, %add3A_1992, %add3A_2006, %add3A_2020, %add3A_2034, %add3A_2048, %add3A_2062, %add3A_2076, %add3A_1980, %add3A_1994, %add3A_2008, %add3A_2022, %add3A_2036, %add3A_2050, %add3A_2064, %add3A_2078 : vector<16xf32>, vector<16xf32>, vector<16xf32>, vector<16xf32>, vector<16xf32>, vector<16xf32>, vector<16xf32>, vector<16xf32>, vector<16xf32>, vector<16xf32>, vector<16xf32>, vector<16xf32>, vector<16xf32>, vector<16xf32>, vector<16xf32>, vector<16xf32>
          }
          %scan3A_1921 = arith.constant 8 : i32
          %add3A_1922 = arith.addf %scan3A_1920#0, %scan3A_1920#1 : vector<16xf32>
          %add3A_1923 = arith.addf %scan3A_1920#2, %scan3A_1920#3 : vector<16xf32>
          %add3A_1924 = arith.addf %add3A_1922, %add3A_1923 : vector<16xf32>
          %add3A_1925 = arith.addf %scan3A_1920#4, %scan3A_1920#5 : vector<16xf32>
          %add3A_1926 = arith.addf %scan3A_1920#6, %scan3A_1920#7 : vector<16xf32>
          %add3A_1927 = arith.addf %add3A_1925, %add3A_1926 : vector<16xf32>
          %add3A_1928 = arith.addf %add3A_1924, %add3A_1927 : vector<16xf32>
          %add3A_1929 = arith.addf %scan3A_1920#8, %scan3A_1920#9 : vector<16xf32>
          %add3A_1930 = arith.addf %scan3A_1920#10, %scan3A_1920#11 : vector<16xf32>
          %add3A_1931 = arith.addf %add3A_1929, %add3A_1930 : vector<16xf32>
          %add3A_1932 = arith.addf %scan3A_1920#12, %scan3A_1920#13 : vector<16xf32>
          %add3A_1933 = arith.addf %scan3A_1920#14, %scan3A_1920#15 : vector<16xf32>
          %add3A_1934 = arith.addf %add3A_1932, %add3A_1933 : vector<16xf32>
          %add3A_1935 = arith.addf %add3A_1931, %add3A_1934 : vector<16xf32>
          %mul3A_1936 = arith.constant 16 : i32
          %mul3A_1937 = arith.muli %scan3A_1904, %mul3A_1936 : i32
          %swap3A = arith.index_cast %scan3A_1628 : i32 to index
          %swap3A_1938 = arith.index_cast %mul3A_1937 : i32 to index
          %swap3A_1939 = tpu.vector_load %arg5[%swap3A, %swap3A_1938] {strides = array<i32>} : memref<120x128xf32, #tpu.memory_space<vmem>>, vector<1x16xf32>,
          %swap3A_1940 = vector.shape_cast %swap3A_1939 : vector<1x16xf32> to vector<16xf32>
          %swap3A_1941 = vector.shape_cast %add3A_1928 : vector<16xf32> to vector<1x16xf32>
          tpu.vector_store %arg5[%swap3A, %swap3A_1938], %swap3A_1941 {strides = array<i32>} : memref<120x128xf32, #tpu.memory_space<vmem>>, vector<1x16xf32>,
          %add3A_1942 = arith.constant 60 : i32
          %add3A_1943 = arith.addi %add3A_1942, %scan3A_1628 : i32
          %mul3A_1944 = arith.constant 16 : i32
          %mul3A_1945 = arith.muli %scan3A_1904, %mul3A_1944 : i32
          %swap3A_1946 = arith.index_cast %add3A_1943 : i32 to index
          %swap3A_1947 = arith.index_cast %mul3A_1945 : i32 to index
          %swap3A_1948 = tpu.vector_load %arg5[%swap3A_1946, %swap3A_1947] {strides = array<i32>} : memref<120x128xf32, #tpu.memory_space<vmem>>, vector<1x16xf32>,
          %swap3A_1949 = vector.shape_cast %swap3A_1948 : vector<1x16xf32> to vector<16xf32>
          %swap3A_1950 = vector.shape_cast %add3A_1935 : vector<16xf32> to vector<1x16xf32>
          tpu.vector_store %arg5[%swap3A_1946, %swap3A_1947], %swap3A_1950 {strides = array<i32>} : memref<120x128xf32, #tpu.memory_space<vmem>>, vector<1x16xf32>,
        } else {
        }
        %scan3A_1914 = arith.constant 0 : i32
        scf.yield %scan3A_1914 : i32
      }
      %scan3A_1887 = arith.constant 8 : i32
      %add3A_1888 = arith.constant 8 : i32
      %add3A_1889 = arith.addi %scan3A_1628, %add3A_1888 : i32
      %lt3A_1890 = arith.constant 58 : i32
      %lt3A_1891 = arith.cmpi slt, %add3A_1889, %lt3A_1890 : i32
      %convert_element_type3A_1892 = arith.extui %lt3A_1891 : i1 to i32
      %cond3A_1893 = arith.constant 0 : i32
      %cond3A_1894 = arith.cmpi ne, %convert_element_type3A_1892, %cond3A_1893 : i32
      scf.if %cond3A_1894 {
        %eq3A_1904 = arith.constant 58 : i32
        %eq3A_1905 = arith.cmpi eq, %add3A_1889, %eq3A_1904 : i32
        %jit3A_1906 = arith.constant 130584 : i32
        %jit3A_1907 = arith.constant 392728 : i32
        %select_n3A_1908 = arith.select %eq3A_1905, %jit3A_1906, %jit3A_1907 : i32
        %eq3A_1909 = arith.constant 57 : i32
        %eq3A_1910 = arith.cmpi eq, %add3A_1889, %eq3A_1909 : i32
        %jit3A_1911 = arith.constant 523792 : i32
        %select_n3A_1912 = arith.select %eq3A_1910, %jit3A_1911, %select_n3A_1908 : i32
        %eq3A_1913 = arith.constant 56 : i32
        %eq3A_1914 = arith.cmpi eq, %add3A_1889, %eq3A_1913 : i32
        %jit3A_1915 = arith.constant 523784 : i32
        %select_n3A_1916 = arith.select %eq3A_1914, %jit3A_1915, %select_n3A_1912 : i32
        %eq3A_1917 = arith.constant 55 : i32
        %eq3A_1918 = arith.cmpi eq, %add3A_1889, %eq3A_1917 : i32
        %jit3A_1919 = arith.constant 523776 : i32
        %select_n3A_1920 = arith.select %eq3A_1918, %jit3A_1919, %select_n3A_1916 : i32
        %eq3A_1921 = arith.constant 54 : i32
        %eq3A_1922 = arith.cmpi eq, %add3A_1889, %eq3A_1921 : i32
        %jit3A_1923 = arith.constant 523768 : i32
        %select_n3A_1924 = arith.select %eq3A_1922, %jit3A_1923, %select_n3A_1920 : i32
        %eq3A_1925 = arith.constant 53 : i32
        %eq3A_1926 = arith.cmpi eq, %add3A_1889, %eq3A_1925 : i32
        %jit3A_1927 = arith.constant 523760 : i32
        %select_n3A_1928 = arith.select %eq3A_1926, %jit3A_1927, %select_n3A_1924 : i32
        %eq3A_1929 = arith.constant 52 : i32
        %eq3A_1930 = arith.cmpi eq, %add3A_1889, %eq3A_1929 : i32
        %jit3A_1931 = arith.constant 523752 : i32
        %select_n3A_1932 = arith.select %eq3A_1930, %jit3A_1931, %select_n3A_1928 : i32
        %eq3A_1933 = arith.constant 51 : i32
        %eq3A_1934 = arith.cmpi eq, %add3A_1889, %eq3A_1933 : i32
        %jit3A_1935 = arith.constant 523744 : i32
        %select_n3A_1936 = arith.select %eq3A_1934, %jit3A_1935, %select_n3A_1932 : i32
        %eq3A_1937 = arith.constant 50 : i32
        %eq3A_1938 = arith.cmpi eq, %add3A_1889, %eq3A_1937 : i32
        %jit3A_1939 = arith.constant 523736 : i32
        %select_n3A_1940 = arith.select %eq3A_1938, %jit3A_1939, %select_n3A_1936 : i32
        %eq3A_1941 = arith.constant 49 : i32
        %eq3A_1942 = arith.cmpi eq, %add3A_1889, %eq3A_1941 : i32
        %jit3A_1943 = arith.constant 508368 : i32
        %select_n3A_1944 = arith.select %eq3A_1942, %jit3A_1943, %select_n3A_1940 : i32
        %eq3A_1945 = arith.constant 48 : i32
        %eq3A_1946 = arith.cmpi eq, %add3A_1889, %eq3A_1945 : i32
        %jit3A_1947 = arith.constant 395672 : i32
        %select_n3A_1948 = arith.select %eq3A_1946, %jit3A_1947, %select_n3A_1944 : i32
        %eq3A_1949 = arith.constant 47 : i32
        %eq3A_1950 = arith.cmpi eq, %add3A_1889, %eq3A_1949 : i32
        %jit3A_1951 = arith.constant 299408 : i32
        %select_n3A_1952 = arith.select %eq3A_1950, %jit3A_1951, %select_n3A_1948 : i32
        %eq3A_1953 = arith.constant 46 : i32
        %eq3A_1954 = arith.cmpi eq, %add3A_1889, %eq3A_1953 : i32
        %jit3A_1955 = arith.constant 393584 : i32
        %select_n3A_1956 = arith.select %eq3A_1954, %jit3A_1955, %select_n3A_1952 : i32
        %eq3A_1957 = arith.constant 45 : i32
        %eq3A_1958 = arith.cmpi eq, %add3A_1889, %eq3A_1957 : i32
        %jit3A_1959 = arith.constant 280896 : i32
        %select_n3A_1960 = arith.select %eq3A_1958, %jit3A_1959, %select_n3A_1956 : i32
        %eq3A_1961 = arith.constant 44 : i32
        %eq3A_1962 = arith.cmpi eq, %add3A_1889, %eq3A_1961 : i32
        %jit3A_1963 = arith.constant 365880 : i32
        %select_n3A_1964 = arith.select %eq3A_1962, %jit3A_1963, %select_n3A_1960 : i32
        %eq3A_1965 = arith.constant 43 : i32
        %eq3A_1966 = arith.cmpi eq, %add3A_1889, %eq3A_1965 : i32
        %jit3A_1967 = arith.constant 475440 : i32
        %select_n3A_1968 = arith.select %eq3A_1966, %jit3A_1967, %select_n3A_1964 : i32
        %eq3A_1969 = arith.constant 42 : i32
        %eq3A_1970 = arith.cmpi eq, %add3A_1889, %eq3A_1969 : i32
        %jit3A_1971 = arith.constant 270624 : i32
        %select_n3A_1972 = arith.select %eq3A_1970, %jit3A_1971, %select_n3A_1968 : i32
        %eq3A_1973 = arith.constant 41 : i32
        %eq3A_1974 = arith.cmpi eq, %add3A_1889, %eq3A_1973 : i32
        %jit3A_1975 = arith.constant 368904 : i32
        %select_n3A_1976 = arith.select %eq3A_1974, %jit3A_1975, %select_n3A_1972 : i32
        %eq3A_1977 = arith.constant 40 : i32
        %eq3A_1978 = arith.cmpi eq, %add3A_1889, %eq3A_1977 : i32
        %jit3A_1979 = arith.constant 395448 : i32
        %select_n3A_1980 = arith.select %eq3A_1978, %jit3A_1979, %select_n3A_1976 : i32
        %eq3A_1981 = arith.constant 39 : i32
        %eq3A_1982 = arith.cmpi eq, %add3A_1889, %eq3A_1981 : i32
        %jit3A_1983 = arith.constant 299184 : i32
        %select_n3A_1984 = arith.select %eq3A_1982, %jit3A_1983, %select_n3A_1980 : i32
        %eq3A_1985 = arith.constant 38 : i32
        %eq3A_1986 = arith.cmpi eq, %add3A_1889, %eq3A_1985 : i32
        %jit3A_1987 = arith.constant 266384 : i32
        %select_n3A_1988 = arith.select %eq3A_1986, %jit3A_1987, %select_n3A_1984 : i32
        %eq3A_1989 = arith.constant 37 : i32
        %eq3A_1990 = arith.cmpi eq, %add3A_1889, %eq3A_1989 : i32
        %jit3A_1991 = arith.constant 402520 : i32
        %select_n3A_1992 = arith.select %eq3A_1990, %jit3A_1991, %select_n3A_1988 : i32
        %eq3A_1993 = arith.constant 36 : i32
        %eq3A_1994 = arith.cmpi eq, %add3A_1889, %eq3A_1993 : i32
        %jit3A_1995 = arith.constant 416848 : i32
        %select_n3A_1996 = arith.select %eq3A_1994, %jit3A_1995, %select_n3A_1992 : i32
        %eq3A_1997 = arith.constant 35 : i32
        %eq3A_1998 = arith.cmpi eq, %add3A_1889, %eq3A_1997 : i32
        %jit3A_1999 = arith.constant 327752 : i32
        %select_n3A_2000 = arith.select %eq3A_1998, %jit3A_1999, %select_n3A_1996 : i32
        %eq3A_2001 = arith.constant 34 : i32
        %eq3A_2002 = arith.cmpi eq, %add3A_1889, %eq3A_2001 : i32
        %jit3A_2003 = arith.constant 294968 : i32
        %select_n3A_2004 = arith.select %eq3A_2002, %jit3A_2003, %select_n3A_2000 : i32
        %eq3A_2005 = arith.constant 33 : i32
        %eq3A_2006 = arith.cmpi eq, %add3A_1889, %eq3A_2005 : i32
        %jit3A_2007 = arith.constant 263208 : i32
        %select_n3A_2008 = arith.select %eq3A_2006, %jit3A_2007, %select_n3A_2004 : i32
        %eq3A_2009 = arith.constant 32 : i32
        %eq3A_2010 = arith.cmpi eq, %add3A_1889, %eq3A_2009 : i32
        %jit3A_2011 = arith.constant 426016 : i32
        %select_n3A_2012 = arith.select %eq3A_2010, %jit3A_2011, %select_n3A_2008 : i32
        %eq3A_2013 = arith.constant 31 : i32
        %eq3A_2014 = arith.cmpi eq, %add3A_1889, %eq3A_2013 : i32
        %jit3A_2015 = arith.constant 264208 : i32
        %select_n3A_2016 = arith.select %eq3A_2014, %jit3A_2015, %select_n3A_2012 : i32
        %eq3A_2017 = arith.constant 30 : i32
        %eq3A_2018 = arith.cmpi eq, %add3A_1889, %eq3A_2017 : i32
        %jit3A_2019 = arith.constant 360456 : i32
        %select_n3A_2020 = arith.select %eq3A_2018, %jit3A_2019, %select_n3A_2016 : i32
        %eq3A_2021 = arith.constant 29 : i32
        %eq3A_2022 = arith.cmpi eq, %add3A_1889, %eq3A_2021 : i32
        %jit3A_2023 = arith.constant 263168 : i32
        %select_n3A_2024 = arith.select %eq3A_2022, %jit3A_2023, %select_n3A_2020 : i32
        %eq3A_2025 = arith.constant 28 : i32
        %eq3A_2026 = arith.cmpi eq, %add3A_1889, %eq3A_2025 : i32
        %jit3A_2027 = arith.constant 261648 : i32
        %select_n3A_2028 = arith.select %eq3A_2026, %jit3A_2027, %select_n3A_2024 : i32
        %eq3A_2029 = arith.constant 27 : i32
        %eq3A_2030 = arith.cmpi eq, %add3A_1889, %eq3A_2029 : i32
        %jit3A_2031 = arith.constant 261640 : i32
        %select_n3A_2032 = arith.select %eq3A_2030, %jit3A_2031, %select_n3A_2028 : i32
        %eq3A_2033 = arith.constant 26 : i32
        %eq3A_2034 = arith.cmpi eq, %add3A_1889, %eq3A_2033 : i32
        %jit3A_2035 = arith.constant 261632 : i32
        %select_n3A_2036 = arith.select %eq3A_2034, %jit3A_2035, %select_n3A_2032 : i32
        %eq3A_2037 = arith.constant 25 : i32
        %eq3A_2038 = arith.cmpi eq, %add3A_1889, %eq3A_2037 : i32
        %jit3A_2039 = arith.constant 261624 : i32
        %select_n3A_2040 = arith.select %eq3A_2038, %jit3A_2039, %select_n3A_2036 : i32
        %eq3A_2041 = arith.constant 24 : i32
        %eq3A_2042 = arith.cmpi eq, %add3A_1889, %eq3A_2041 : i32
        %jit3A_2043 = arith.constant 261616 : i32
        %select_n3A_2044 = arith.select %eq3A_2042, %jit3A_2043, %select_n3A_2040 : i32
        %eq3A_2045 = arith.constant 23 : i32
        %eq3A_2046 = arith.cmpi eq, %add3A_1889, %eq3A_2045 : i32
        %jit3A_2047 = arith.constant 261608 : i32
        %select_n3A_2048 = arith.select %eq3A_2046, %jit3A_2047, %select_n3A_2044 : i32
        %eq3A_2049 = arith.constant 22 : i32
        %eq3A_2050 = arith.cmpi eq, %add3A_1889, %eq3A_2049 : i32
        %jit3A_2051 = arith.constant 261600 : i32
        %select_n3A_2052 = arith.select %eq3A_2050, %jit3A_2051, %select_n3A_2048 : i32
        %eq3A_2053 = arith.constant 21 : i32
        %eq3A_2054 = arith.cmpi eq, %add3A_1889, %eq3A_2053 : i32
        %jit3A_2055 = arith.constant 261592 : i32
        %select_n3A_2056 = arith.select %eq3A_2054, %jit3A_2055, %select_n3A_2052 : i32
        %eq3A_2057 = arith.constant 20 : i32
        %eq3A_2058 = arith.cmpi eq, %add3A_1889, %eq3A_2057 : i32
        %jit3A_2059 = arith.constant 246224 : i32
        %select_n3A_2060 = arith.select %eq3A_2058, %jit3A_2059, %select_n3A_2056 : i32
        %eq3A_2061 = arith.constant 19 : i32
        %eq3A_2062 = arith.cmpi eq, %add3A_1889, %eq3A_2061 : i32
        %jit3A_2063 = arith.constant 133528 : i32
        %select_n3A_2064 = arith.select %eq3A_2062, %jit3A_2063, %select_n3A_2060 : i32
        %eq3A_2065 = arith.constant 18 : i32
        %eq3A_2066 = arith.cmpi eq, %add3A_1889, %eq3A_2065 : i32
        %jit3A_2067 = arith.constant 37264 : i32
        %select_n3A_2068 = arith.select %eq3A_2066, %jit3A_2067, %select_n3A_2064 : i32
        %eq3A_2069 = arith.constant 17 : i32
        %eq3A_2070 = arith.cmpi eq, %add3A_1889, %eq3A_2069 : i32
        %jit3A_2071 = arith.constant 131440 : i32
        %select_n3A_2072 = arith.select %eq3A_2070, %jit3A_2071, %select_n3A_2068 : i32
        %eq3A_2073 = arith.constant 16 : i32
        %eq3A_2074 = arith.cmpi eq, %add3A_1889, %eq3A_2073 : i32
        %jit3A_2075 = arith.constant 18752 : i32
        %select_n3A_2076 = arith.select %eq3A_2074, %jit3A_2075, %select_n3A_2072 : i32
        %eq3A_2077 = arith.constant 15 : i32
        %eq3A_2078 = arith.cmpi eq, %add3A_1889, %eq3A_2077 : i32
        %jit3A_2079 = arith.constant 103736 : i32
        %select_n3A_2080 = arith.select %eq3A_2078, %jit3A_2079, %select_n3A_2076 : i32
        %eq3A_2081 = arith.constant 14 : i32
        %eq3A_2082 = arith.cmpi eq, %add3A_1889, %eq3A_2081 : i32
        %jit3A_2083 = arith.constant 213296 : i32
        %select_n3A_2084 = arith.select %eq3A_2082, %jit3A_2083, %select_n3A_2080 : i32
        %eq3A_2085 = arith.constant 13 : i32
        %eq3A_2086 = arith.cmpi eq, %add3A_1889, %eq3A_2085 : i32
        %jit3A_2087 = arith.constant 8480 : i32
        %select_n3A_2088 = arith.select %eq3A_2086, %jit3A_2087, %select_n3A_2084 : i32
        %eq3A_2089 = arith.constant 12 : i32
        %eq3A_2090 = arith.cmpi eq, %add3A_1889, %eq3A_2089 : i32
        %jit3A_2091 = arith.constant 106760 : i32
        %select_n3A_2092 = arith.select %eq3A_2090, %jit3A_2091, %select_n3A_2088 : i32
        %eq3A_2093 = arith.constant 11 : i32
        %eq3A_2094 = arith.cmpi eq, %add3A_1889, %eq3A_2093 : i32
        %jit3A_2095 = arith.constant 133304 : i32
        %select_n3A_2096 = arith.select %eq3A_2094, %jit3A_2095, %select_n3A_2092 : i32
        %eq3A_2097 = arith.constant 10 : i32
        %eq3A_2098 = arith.cmpi eq, %add3A_1889, %eq3A_2097 : i32
        %jit3A_2099 = arith.constant 37040 : i32
        %select_n3A_2100 = arith.select %eq3A_2098, %jit3A_2099, %select_n3A_2096 : i32
        %eq3A_2101 = arith.constant 9 : i32
        %eq3A_2102 = arith.cmpi eq, %add3A_1889, %eq3A_2101 : i32
        %jit3A_2103 = arith.constant 4240 : i32
        %select_n3A_2104 = arith.select %eq3A_2102, %jit3A_2103, %select_n3A_2100 : i32
        %eq3A_2105 = arith.constant 8 : i32
        %eq3A_2106 = arith.cmpi eq, %add3A_1889, %eq3A_2105 : i32
        %jit3A_2107 = arith.constant 140376 : i32
        %select_n3A_2108 = arith.select %eq3A_2106, %jit3A_2107, %select_n3A_2104 : i32
        %eq3A_2109 = arith.constant 7 : i32
        %eq3A_2110 = arith.cmpi eq, %add3A_1889, %eq3A_2109 : i32
        %jit3A_2111 = arith.constant 154704 : i32
        %select_n3A_2112 = arith.select %eq3A_2110, %jit3A_2111, %select_n3A_2108 : i32
        %eq3A_2113 = arith.constant 6 : i32
        %eq3A_2114 = arith.cmpi eq, %add3A_1889, %eq3A_2113 : i32
        %jit3A_2115 = arith.constant 65608 : i32
        %select_n3A_2116 = arith.select %eq3A_2114, %jit3A_2115, %select_n3A_2112 : i32
        %eq3A_2117 = arith.constant 5 : i32
        %eq3A_2118 = arith.cmpi eq, %add3A_1889, %eq3A_2117 : i32
        %jit3A_2119 = arith.constant 32824 : i32
        %select_n3A_2120 = arith.select %eq3A_2118, %jit3A_2119, %select_n3A_2116 : i32
        %eq3A_2121 = arith.constant 4 : i32
        %eq3A_2122 = arith.cmpi eq, %add3A_1889, %eq3A_2121 : i32
        %jit3A_2123 = arith.constant 1064 : i32
        %select_n3A_2124 = arith.select %eq3A_2122, %jit3A_2123, %select_n3A_2120 : i32
        %eq3A_2125 = arith.constant 3 : i32
        %eq3A_2126 = arith.cmpi eq, %add3A_1889, %eq3A_2125 : i32
        %jit3A_2127 = arith.constant 163872 : i32
        %select_n3A_2128 = arith.select %eq3A_2126, %jit3A_2127, %select_n3A_2124 : i32
        %eq3A_2129 = arith.constant 2 : i32
        %eq3A_2130 = arith.cmpi eq, %add3A_1889, %eq3A_2129 : i32
        %jit3A_2131 = arith.constant 2064 : i32
        %select_n3A_2132 = arith.select %eq3A_2130, %jit3A_2131, %select_n3A_2128 : i32
        %eq3A_2133 = arith.constant 1 : i32
        %eq3A_2134 = arith.cmpi eq, %add3A_1889, %eq3A_2133 : i32
        %jit3A_2135 = arith.constant 98312 : i32
        %select_n3A_2136 = arith.select %eq3A_2134, %jit3A_2135, %select_n3A_2132 : i32
        %eq3A_2137 = arith.constant 0 : i32
        %eq3A_2138 = arith.cmpi eq, %add3A_1889, %eq3A_2137 : i32
        %jit3A_2139 = arith.constant 1024 : i32
        %select_n3A_2140 = arith.select %eq3A_2138, %jit3A_2139, %select_n3A_2136 : i32
        %shift_right_arithmetic3A_2141 = arith.constant 18 : i32
        %shift_right_arithmetic3A_2142 = arith.shrsi %select_n3A_2140, %shift_right_arithmetic3A_2141 : i32
        %and3A_2143 = arith.constant 1023 : i32
        %and3A_2144 = arith.andi %select_n3A_2140, %and3A_2143 : i32
        %shift_right_arithmetic3A_2145 = arith.constant 10 : i32
        %shift_right_arithmetic3A_2146 = arith.shrsi %select_n3A_2140, %shift_right_arithmetic3A_2145 : i32
        %and3A_2147 = arith.constant 255 : i32
        %and3A_2148 = arith.andi %shift_right_arithmetic3A_2146, %and3A_2147 : i32
        %multiple_of3A_2149 = tpu.assume_multiple %and3A_2144, 8 : i32
        %dma_start3A_2150 = arith.constant 0 : i32
        %dma_start3A_2151 = arith.constant 0 : i32
        %dma_start3A_2152 = tpu.memref_slice %arg4[%rem3A_1630, %dma_start3A_2150, %dma_start3A_2151] : memref<8x8x1024xf32, #tpu.memory_space<vmem>> -> memref<1x8x1024xf32, #tpu.memory_space<vmem>>
        %dma_start3A_2153 = tpu.memref_squeeze %dma_start3A_2152 : memref<1x8x1024xf32, #tpu.memory_space<vmem>> -> memref<8x1024xf32, #tpu.memory_space<vmem>>
        %dma_start3A_2154 = tpu.memref_slice %arg2[%shift_right_arithmetic3A_2142, %multiple_of3A_2149, %mul3A_2] : memref<3x543x32768xf32, #tpu.memory_space<hbm>> -> memref<1x8x1024xf32, #tpu.memory_space<hbm>>
        %dma_start3A_2155 = tpu.memref_squeeze %dma_start3A_2154 : memref<1x8x1024xf32, #tpu.memory_space<hbm>> -> memref<8x1024xf32, #tpu.memory_space<hbm>>
        %dma_start3A_2156 = tpu.memref_slice %arg6[%rem3A_1630] : memref<8x!tpu.dma_semaphore, #tpu.memory_space<semaphore_mem>> -> memref<1x!tpu.dma_semaphore, #tpu.memory_space<semaphore_mem>>
        %dma_start3A_2157 = tpu.memref_squeeze %dma_start3A_2156 : memref<1x!tpu.dma_semaphore, #tpu.memory_space<semaphore_mem>> -> memref<!tpu.dma_semaphore, #tpu.memory_space<semaphore_mem>>
        %dma_start3A_2158 = arith.constant 0 : i32
        %dma_start3A_2159 = arith.constant 0 : i32
        %dma_start3A_2160 = tpu.memref_slice %arg4[%rem3A_1630, %dma_start3A_2158, %dma_start3A_2159] : memref<8x8x1024xf32, #tpu.memory_space<vmem>> -> memref<1x8x1024xf32, #tpu.memory_space<vmem>>
        %dma_start3A_2161 = tpu.memref_squeeze %dma_start3A_2160 : memref<1x8x1024xf32, #tpu.memory_space<vmem>> -> memref<8x1024xf32, #tpu.memory_space<vmem>>
        %dma_start3A_2162 = tpu.memref_slice %arg2[%shift_right_arithmetic3A_2142, %multiple_of3A_2149, %mul3A_2] : memref<3x543x32768xf32, #tpu.memory_space<hbm>> -> memref<1x8x1024xf32, #tpu.memory_space<hbm>>
        %dma_start3A_2163 = tpu.memref_squeeze %dma_start3A_2162 : memref<1x8x1024xf32, #tpu.memory_space<hbm>> -> memref<8x1024xf32, #tpu.memory_space<hbm>>
        tpu.enqueue_dma source(%dma_start3A_2163 : memref<8x1024xf32, #tpu.memory_space<hbm>>) target(%dma_start3A_2161 : memref<8x1024xf32, #tpu.memory_space<vmem>>) target_semaphore(%dma_start3A_2157 : memref<!tpu.dma_semaphore, #tpu.memory_space<semaphore_mem>>)
      } else {
      }
      %ge3A_1895 = arith.constant 58 : i32
      %ge3A_1896 = arith.cmpi sge, %add3A_1889, %ge3A_1895 : i32
      %lt3A_1897 = arith.constant 60 : i32
      %lt3A_1898 = arith.cmpi slt, %add3A_1889, %lt3A_1897 : i32
      %and3A_1899 = arith.andi %ge3A_1896, %lt3A_1898 : i1
      %convert_element_type3A_1900 = arith.extui %and3A_1899 : i1 to i32
      %cond3A_1901 = arith.constant 0 : i32
      %cond3A_1902 = arith.cmpi ne, %convert_element_type3A_1900, %cond3A_1901 : i32
      scf.if %cond3A_1902 {
        %sub3A = arith.constant 58 : i32
        %sub3A_1904 = arith.subi %add3A_1889, %sub3A : i32
        %dma_start3A_1905 = arith.constant 0 : i32
        %dma_start3A_1906 = arith.constant 0 : i32
        %dma_start3A_1907 = tpu.memref_slice %arg4[%rem3A_1630, %dma_start3A_1905, %dma_start3A_1906] : memref<8x8x1024xf32, #tpu.memory_space<vmem>> -> memref<1x7x1024xf32, #tpu.memory_space<vmem>>
        %dma_start3A_1908 = tpu.memref_squeeze %dma_start3A_1907 : memref<1x7x1024xf32, #tpu.memory_space<vmem>> -> memref<7x1024xf32, #tpu.memory_space<vmem>>
        %dma_start3A_1909 = arith.constant 536 : i32
        %dma_start3A_1910 = tpu.memref_slice %arg2[%sub3A_1904, %dma_start3A_1909, %mul3A_2] : memref<3x543x32768xf32, #tpu.memory_space<hbm>> -> memref<1x7x1024xf32, #tpu.memory_space<hbm>>
        %dma_start3A_1911 = tpu.memref_squeeze %dma_start3A_1910 : memref<1x7x1024xf32, #tpu.memory_space<hbm>> -> memref<7x1024xf32, #tpu.memory_space<hbm>>
        %dma_start3A_1912 = tpu.memref_slice %arg6[%rem3A_1630] : memref<8x!tpu.dma_semaphore, #tpu.memory_space<semaphore_mem>> -> memref<1x!tpu.dma_semaphore, #tpu.memory_space<semaphore_mem>>
        %dma_start3A_1913 = tpu.memref_squeeze %dma_start3A_1912 : memref<1x!tpu.dma_semaphore, #tpu.memory_space<semaphore_mem>> -> memref<!tpu.dma_semaphore, #tpu.memory_space<semaphore_mem>>
        %dma_start3A_1914 = arith.constant 0 : i32
        %dma_start3A_1915 = arith.constant 0 : i32
        %dma_start3A_1916 = tpu.memref_slice %arg4[%rem3A_1630, %dma_start3A_1914, %dma_start3A_1915] : memref<8x8x1024xf32, #tpu.memory_space<vmem>> -> memref<1x7x1024xf32, #tpu.memory_space<vmem>>
        %dma_start3A_1917 = tpu.memref_squeeze %dma_start3A_1916 : memref<1x7x1024xf32, #tpu.memory_space<vmem>> -> memref<7x1024xf32, #tpu.memory_space<vmem>>
        %dma_start3A_1918 = arith.constant 536 : i32
        %dma_start3A_1919 = tpu.memref_slice %arg2[%sub3A_1904, %dma_start3A_1918, %mul3A_2] : memref<3x543x32768xf32, #tpu.memory_space<hbm>> -> memref<1x7x1024xf32, #tpu.memory_space<hbm>>
        %dma_start3A_1920 = tpu.memref_squeeze %dma_start3A_1919 : memref<1x7x1024xf32, #tpu.memory_space<hbm>> -> memref<7x1024xf32, #tpu.memory_space<hbm>>
        tpu.enqueue_dma source(%dma_start3A_1920 : memref<7x1024xf32, #tpu.memory_space<hbm>>) target(%dma_start3A_1917 : memref<7x1024xf32, #tpu.memory_space<vmem>>) target_semaphore(%dma_start3A_1913 : memref<!tpu.dma_semaphore, #tpu.memory_space<semaphore_mem>>)
      } else {
      }
      %scan3A_1903 = arith.constant 0 : i32
      scf.yield %scan3A_1903 : i32
    }
    %scan3A_1627 = arith.constant 60 : i32
    "tpu.region"() ({
      %run_scoped3A = tpu.sem_alloc : memref<!tpu.dma_semaphore, #tpu.memory_space<semaphore_mem>>
      %dma_start3A_1628 = arith.constant 0 : i32
      %dma_start3A_1629 = arith.constant 0 : i32
      %dma_start3A_1630 = tpu.memref_slice %arg3[%add3A, %dma_start3A_1628, %dma_start3A_1629] : memref<32x120x128xf32, #tpu.memory_space<hbm>> -> memref<1x120x128xf32, #tpu.memory_space<hbm>>
      %dma_start3A_1631 = tpu.memref_squeeze %dma_start3A_1630 : memref<1x120x128xf32, #tpu.memory_space<hbm>> -> memref<120x128xf32, #tpu.memory_space<hbm>>
      %dma_start3A_1632 = arith.constant 0 : i32
      %dma_start3A_1633 = arith.constant 0 : i32
      %dma_start3A_1634 = tpu.memref_slice %arg3[%add3A, %dma_start3A_1632, %dma_start3A_1633] : memref<32x120x128xf32, #tpu.memory_space<hbm>> -> memref<1x120x128xf32, #tpu.memory_space<hbm>>
      %dma_start3A_1635 = tpu.memref_squeeze %dma_start3A_1634 : memref<1x120x128xf32, #tpu.memory_space<hbm>> -> memref<120x128xf32, #tpu.memory_space<hbm>>
      tpu.enqueue_dma source(%arg5 : memref<120x128xf32, #tpu.memory_space<vmem>>) target(%dma_start3A_1635 : memref<120x128xf32, #tpu.memory_space<hbm>>) target_semaphore(%run_scoped3A : memref<!tpu.dma_semaphore, #tpu.memory_space<semaphore_mem>>)
      %dma_wait3A = arith.constant 0 : i32
      %dma_wait3A_1636 = arith.constant 0 : i32
      %dma_wait3A_1637 = tpu.memref_slice %arg3[%add3A, %dma_wait3A, %dma_wait3A_1636] : memref<32x120x128xf32, #tpu.memory_space<hbm>> -> memref<1x120x128xf32, #tpu.memory_space<hbm>>
      %dma_wait3A_1638 = tpu.memref_squeeze %dma_wait3A_1637 : memref<1x120x128xf32, #tpu.memory_space<hbm>> -> memref<120x128xf32, #tpu.memory_space<hbm>>
      %dma_wait3A_1639 = arith.constant 0 : i32
      %dma_wait3A_1640 = arith.constant 0 : i32
      %dma_wait3A_1641 = tpu.memref_slice %arg3[%add3A, %dma_wait3A_1639, %dma_wait3A_1640] : memref<32x120x128xf32, #tpu.memory_space<hbm>> -> memref<1x120x128xf32, #tpu.memory_space<hbm>>
      %dma_wait3A_1642 = tpu.memref_squeeze %dma_wait3A_1641 : memref<1x120x128xf32, #tpu.memory_space<hbm>> -> memref<120x128xf32, #tpu.memory_space<hbm>>
      tpu.wait_dma2 semaphore(%run_scoped3A : memref<!tpu.dma_semaphore, #tpu.memory_space<semaphore_mem>>) src(%arg5 : memref<120x128xf32, #tpu.memory_space<vmem>>) dst(%dma_wait3A_1642 : memref<120x128xf32, #tpu.memory_space<hbm>>)
      tpu.yield
    }) : () -> ()
    return
  }
}

</mosaic_0001>

<sc_bundles>
// kernel: kernel.3.cloned.1.call-start
scs
__scs_entry_jumppad:
0x0: {  	(pc) =	sbr.rel $0x88, $3  }
0x1: {  	(tag) =	ssettag $0x0;
	lr =	simm.s32 $0x1  }
0x2: {  	[smem:$0x3FA0] =	sst lr;
	_ =	strace $0xD0000000  }
0x3: {  	_ = 	snop  }
0x4: {  	_ = 	snop  }
0x5: {  	_ = 	snop  }
0x6: {  	_ = 	snop  }
0x7: {  	_ = 	snop  }
__scs_overlays_trampoline_lowered:
0x8: {  	[smem:$0x3FAF] =	sst s0  }
0x9: {  	[smem:$0x3FB0] =	sst s1  }
0xa: {  	[smem:$0x3FB1] =	sst s2  }
0xb: {  	[smem:$0x3FB2] =	sst s3  }
0xc: {  	[smem:$0x3FB3] =	sst s4  }
0xd: {  	[smem:$0x3FB4] =	sst s5  }
0xe: {  	[smem:$0x3FB5] =	sst s6  }
0xf: {  	[smem:$0x3FB6] =	sst s7  }
0x10: {  	[smem:$0x3FB7] =	sst s8  }
0x11: {  	[smem:$0x3FB8] =	sst s9;
	s0 =	simm.s32 @!p0 $0x0  }
0x12: {  	s1 =	sld [smem:$0x3F9E];
	s0 =	simm.s32 @p0 $0x1  }
0x13: {  	[smem:$0x3FB9] =	sst s0;
	s0 =	simm.s32 @!p1 $0x0  }
0x14: {  	s2 =	sld [smem:$0x3F9D];
	s0 =	simm.s32 @p1 $0x1  }
0x15: {  	[smem:$0x3FBA] =	sst s0;
	s0 =	simm.s32 @!p2 $0x0  }
0x16: {  	s3 =	sld [smem:$0x3FDB];
	s0 =	simm.s32 @p2 $0x1  }
0x17: {  	s4 =	simm.s32 $0x1BF5;
	[smem:$0x3FBC] =	sst s0  }
0x18: {  	s0 =	sld [smem:$0x3F9F];
	_ =	swait.ge [sflag:s4], $0x0  }
0x19: {  	s7 =	sld [smem:$0x3FA0]  }
0x1a: {  	s8 =	sadd.s32 $0xFFFFE003, lr  }
0x1b: {  	s9 =	sadd.s32 $0xFFFFFEF7, lr;
	s5 =	simm.s32 $0xFFFFFFFF;
	p2 =	slt.u32 s8, $0xFFFFF086  }
0x1c: {  	p1 =	slt.u32 s9, $0xF7A;
	s5 =	simm.s32 @!p2 $0x0  }
0x1d: {  	s5 =	simm.s32 @p1 $0x1;
	p0 =	seq.s32 s7, s2  }
0x1e: {  	s7 =	smul.u32 @!p0 $0xF7A, s2;
	p2 =	seq.s32 @!p0 s5, $0x0  }
0x1f: {  	s9 =	smul.u32 $0xF7A, s1;
	s8 =	simm.s32 @!p0 $0x1BF5;
	p2 =	por !p2, p0  }
0x20: {  	[sflag:s8] =	ssyncset.s32 @!p0 $0xFFFFF086;
	s6 =	sadd.s32 @!p0 s3, s7;
	s7 =	simm.s32 @!p0 $0x108  }
0x21: {  	s3 =	sadd.s32 s3, s9;
	s6 =	sadd.s32 @!p0 $0x88, s6;
	s7 =	simm.s32 @p2 $0x1082  }
0x22: {  	[simem:s7], [sflag:s8] =	dma.local @!p0 [hbm:s6], $0xF7A  }
0x23: {  	s9 =	sor.u32 $0xD0000000, s2;
	s6 =	simm.s32 $0x108;
	_ =	swait.ge @!p0 [sflag:s8], $0x0  }
0x24: {  	s3 =	sadd.s32 $0x88, s3;
	s6 =	simm.s32 @!p1 $0x1082;
	[sflag:s4] =	ssyncset.s32 $0xFFFFF086  }
0x25: {  	[simem:s6], [sflag:s4] =	dma.local [hbm:s3], $0xF7A  }
0x26: {  	[smem:$0x3FA0] =	sst s1;
	(tag) =	ssettag s2;
	_ =	strace s9  }
0x27: {  	s1 =	sld [smem:$0x3FB0]  }
0x28: {  	s2 =	sld [smem:$0x3FB1]  }
0x29: {  	s4 =	sld [smem:$0x3FB3]  }
0x2a: {  	p0 =	seq.s32 s5, $0x0;
	s5 =	sld [smem:$0x3FB4]  }
0x2b: {  	s6 =	sld [smem:$0x3FB5]  }
0x2c: {  	s7 =	sld [smem:$0x3FB6]  }
0x2d: {  	s3 =	simm.s32 $0x108;
	s8 =	sld [smem:$0x3FB7]  }
0x2e: {  	s3 =	simm.s32 @!p0 $0x1082;
	s9 =	sld [smem:$0x3FB8]  }
0x2f: {  	lr =	sadd.s32 s0, s3;
	s0 =	sld [smem:$0x3FAF]  }
0x30: {  	s3 =	sld [smem:$0x3FB2]  }
0x31: {  	[smem:$0x3FBB] =	sst s10  }
0x32: {  	s10 =	sld [smem:$0x3FB9];
	_ =	sdelay $0x3  }
0x33: {  	p0 =	seq.s32 s10, $0x1;
	s10 =	sld [smem:$0x3FBB];
	_ =	sdelay $0x3  }
0x34: {  	[smem:$0x3FBB] =	sst s10  }
0x35: {  	s10 =	sld [smem:$0x3FBA];
	_ =	sdelay $0x3  }
0x36: {  	p1 =	seq.s32 s10, $0x1;
	s10 =	sld [smem:$0x3FBB];
	_ =	sdelay $0x3  }
0x37: {  	[smem:$0x3FBB] =	sst s10  }
0x38: {  	s10 =	sld [smem:$0x3FBC]  }
0x39: {  	_ = 	snop;
	(pc) =	sbr.ind lr, $3  }
0x3a: {  	_ = 	snop  }
0x3b: {  	_ = 	snop  }
0x3c: {  	p2 =	seq.s32 s10, $0x1;
	s10 =	sld [smem:$0x3FBB]  }
0x3d: {  	_ =	shalt  }
0x3e: {  	_ =	shalt  }
0x3f: {  	_ =	shalt  }
0x40: {  	_ =	shalt  }
0x41: {  	_ =	shalt  }
0x42: {  	_ =	shalt  }
0x43: {  	_ =	shalt  }
0x44: {  	_ =	shalt  }
0x45: {  	_ =	shalt  }
0x46: {  	_ =	shalt  }
0x47: {  	_ =	shalt  }
0x48: {  	_ =	shalt  }
0x49: {  	_ =	shalt  }
0x4a: {  	_ =	shalt  }
0x4b: {  	_ =	shalt  }
0x4c: {  	_ =	shalt  }
0x4d: {  	_ =	shalt  }
0x4e: {  	_ =	shalt  }
0x4f: {  	_ =	shalt  }
0x50: {  	_ =	shalt  }
0x51: {  	_ =	shalt  }
0x52: {  	_ =	shalt  }
0x53: {  	_ =	shalt  }
0x54: {  	_ =	shalt  }
0x55: {  	_ =	shalt  }
0x56: {  	_ =	shalt  }
0x57: {  	_ =	shalt  }
0x58: {  	_ =	shalt  }
0x59: {  	_ =	shalt  }
0x5a: {  	_ =	shalt  }
0x5b: {  	_ =	shalt  }
0x5c: {  	_ =	shalt  }
0x5d: {  	_ =	shalt  }
0x5e: {  	_ =	shalt  }
0x5f: {  	_ =	shalt  }
0x60: {  	_ =	shalt  }
0x61: {  	_ =	shalt  }
0x62: {  	_ =	shalt  }
0x63: {  	_ =	shalt  }
0x64: {  	_ =	shalt  }
0x65: {  	_ =	shalt  }
0x66: {  	_ =	shalt  }
0x67: {  	_ =	shalt  }
0x68: {  	_ =	shalt  }
0x69: {  	_ =	shalt  }
0x6a: {  	_ =	shalt  }
0x6b: {  	_ =	shalt  }
0x6c: {  	_ =	shalt  }
0x6d: {  	_ =	shalt  }
0x6e: {  	_ =	shalt  }
0x6f: {  	_ =	shalt  }
0x70: {  	_ =	shalt  }
0x71: {  	_ =	shalt  }
0x72: {  	_ =	shalt  }
0x73: {  	_ =	shalt  }
0x74: {  	_ =	shalt  }
0x75: {  	_ =	shalt  }
0x76: {  	_ =	shalt  }
0x77: {  	_ =	shalt  }
0x78: {  	_ =	shalt  }
0x79: {  	_ =	shalt  }
0x7a: {  	_ =	shalt  }
0x7b: {  	_ =	shalt  }
0x7c: {  	_ =	shalt  }
0x7d: {  	_ =	shalt  }
0x7e: {  	_ =	shalt  }
0x7f: {  	_ =	shalt  }
0x80: {  	_ =	shalt  }
0x81: {  	_ =	shalt  }
0x82: {  	_ =	shalt  }
0x83: {  	_ =	shalt  }
0x84: {  	_ =	shalt  }
0x85: {  	_ =	shalt  }
0x86: {  	_ =	shalt  }
0x87: {  	_ =	shalt  }
.Lfunc_end0:
.L_simem_size_0:
called_computation_lowered:
.L_overlay_start_0:
0x88: {  	s2 =	sld [smem:$0x3FD9]  }
0x89: {  	s3 =	sld [smem:$0x3FFE];
	_ =	sdelay $0x1  }
0x8a: {  	s1 =	srdreg.scid  }
0x8b: {  	s0 =	sand.u32 $0x1, s1  }
0x8c: {  	s17 =	sshll.u32 s0, $0xA;
	s2 =	sadd.s32 s3, s2  }
0x8d: {  	s2 =	sadd.s32 s2, s17  }
0x8e: {  	[smem:$0x3FC7] =	sst s2  }
0x8f: {  	_ = 	snop  }
0x90: {  	s2 =	sld [smem:$0x3FC9];
	(tm) =	ssettm $0x1  }
0x91: {  	s18 =	sld [smem:$0x3FFB];
	_ =	sdelay $0x3  }
0x92: {  	_ =	strace s18  }
0x93: {  	s3 =	sld [smem:$0x3FFC];
	_ =	sdelay $0x3  }
0x94: {  	_ =	strace s3  }
0x95: {  	s3 =	sld [smem:$0x3FFD];
	_ =	sdelay $0x3  }
0x96: {  	_ =	strace s3  }
0x97: {  	_ =	strace $0x8FFFFFFF  }
0x98: {  	s19 =	sld [smem:$0x3FDB];
	_ =	sdelay $0x1  }
0x99: {  	s4 =	simm.s32 $_scs_section_size  }
0x9a: {  	s5 =	simm.s32 $_size__tile_overlayer_lowered;
	s6 =	simm.s32 $_tile_overlayer_lowered  }
0x9b: {  	s22 =	simm.s32 $0x1BFF;
	s21 =	sshll.u32 s6, $0x1;
	s3 =	sadd.s32 s4, s19  }
0x9c: {  	s7 =	simm.s32 $0x0;
	s20 =	sshll.u32 s5, $0x1;
	s5 =	sadd.s32 s21, s3  }
0x9d: {  	[timem:s7], [sflag:s22] =	dma.local [hbm:s5], s20  }
0x9e: {  	_ =	swait.ge [sflag:s22], s20  }
0x9f: {  	s4 =	ssub.s32 $0x0, s20;
	[sflag:s22] =	ssyncset.done $0x0  }
0xa0: {  	[sflag:s22] =	ssyncadd.s32 s4;
	_ =	sdelay $0x1  }
0xa1: {  	s23 =	simm.s32 $0x1B8B  }
0xa2: {  	_ =	swait.ge [sflag:s23], $0x1  }
0xa3: {  	[sflag:s23] =	ssyncset.done $0x0  }
0xa4: {  	s25 =	simm.s32 $0x1B8E;
	s24 =	sld [smem:$0x3FFE];
	[sflag:s23] =	ssyncadd.s32 $0xFFFFFFFF  }
0xa5: {  	s26 =	simm.s32 $execute0_lowered;
	[smem:$0x3FD2] =	sst s25  }
0xa6: {  	s5 =	sshll.u32 s26, $0x1;
	_ =	strace $0x80000046;
	[dreg:$0x1] =	wrdreg $0xFFFFFFFF  }
0xa7: {  	s28 =	simm.s32 $_size_execute0_lowered;
	s3 =	sadd.s32 s3, s5;
	[dreg:$0x0] =	wrdreg $0x0  }
0xa8: {  	s5 =	sshll.u32 s28, $0x1;
	[dreg:$0x2] =	wrdreg s3  }
0xa9: {  	[dreg:$0x3] =	wrdreg s5  }
0xaa: {  	[dreg:$0x4] =	wrdreg $0xC0  }
0xab: {  	_ =	task [dreg:s7], $0x5FFFF  }
0xac: {  	[dreg:$0x1] =	wrdreg $0xFFFFFFFF  }
0xad: {  	[dreg:$0x0] =	wrdreg $0x60  }
0xae: {  	[dreg:$0x2] =	wrdreg s2  }
0xaf: {  	[dreg:$0x3] =	wrdreg s24  }
0xb0: {  	[dreg:$0x4] =	wrdreg $0x9  }
0xb1: {  	_ =	task.clear_ibuf [dreg:s7], $0x5FFFF;
	_ =	strace $0x90000046  }
0xb2: {  	s29 =	simm.s32 $0x9;
	_ =	strace $0x80000048  }
0xb3: {  	_ =	swait.ge [sflag:s29], $0x1  }
0xb4: {  	[sflag:s29] =	ssyncadd.s32 $0xFFFFFFFF  }
0xb5: {  	_ =	strace $0x90000048  }
0xb6: {  	_ =	sfence  }
0xb7: {  	s30 =	sld [smem:$0x0];
	_ =	sdelay $0x2  }
0xb8: {  	s31 =	sshll.u32 s1, $0xD;
	s1 =	sshrl.u32 s1, $0x2  }
0xb9: {  	s3 =	sand.u32 $0x4000, s31;
	s1 =	sadd.s32 s1, s30  }
0xba: {  	s0 =	sor.u32 s3, s0;
	s1 =	sshll.u32 s1, $0x11  }
0xbb: {  	s0 =	sor.u32 s1, s0  }
0xbc: {  	s0 =	sadd.s32 $0x8F2B, s0  }
0xbd: {  	[sflag:s0] =	ssyncadd.remote.s32 $0x1  }
0xbe: {  	_ =	sfence.sel $0xFFFF  }
0xbf: {  	[dreg:$0x0] =	wrdreg $0xFFFFFFFF;
	(pc) =	sbr.abs _section_cstart, $3  }
0xc0: {  	[dreg:$0x1] =	wrdreg $0xFFFFFFFF  }
0xc1: {  	_ =	task.clear_ibuf [dreg:s7], $0x2FFFF;
	_ =	strace $0x9FFFFFFF  }
0xc2: {  	(tm) =	ssettm $0x7FFFFFFF  }
0xc3: {  	_ =	shalt  }
tec
execute0_lowered:
.L_overlay_start_1:
0x0: {  	(tag) =	ssettag $0x1  }
0x1: {  	s2 =	rddreg [dreg:$0x0]  }
0x2: {  	s0 =	rddreg [dreg:$0x1]  }
0x3: {  	s1 =	srdreg.scid;
	s4 =	stileid.u32  }
0x4: {  	s3 =	simm.s32 $0x0;
	s20 =	simm.s32 $0xA000;
	s21 =	simm.s32 $0xC000  }
0x5: {  	s22 =	simm.s32 $0xE000;
	s23 =	simm.s32 $0x10000;
	s24 =	simm.s32 $0x9  }
0x6: {  	s25 =	simm.s32 $0x0;
	s1 =	sand.u32 $0x1, s1;
	s4 =	sshll.u32 s4, $0x1  }
0x7: {  	[smem:$0x7FF] =	sst s3;
	s5 =	ssub.s32 $0x2, s1;
	s1 =	sor.u32 s1, s4  }
0x8: {  	s6 =	sshll.u32 s1, $0xA;
	s4 =	sshll.u32 s1, $0xD;
	s1 =	smul.u32 $0x780, s1  }
.Ltmp0:
0x9: {  	_ =	strace $0x80000047;
	s31 =	sshrl.u32 s5, $0x1;
	(pc) =	sbr.rel .LBB2_1-.Ltmp0, $4  }
0xa: {  	s15 =	ssub.s32 s5, s31;
	s5 =	sadd.s32 s2, s6;
	s13 =	sor.u32 $0xCBEC0000, s4  }
0xb: {  	s6 =	sadd.s32 $0x8000, s5;
	s7 =	sadd.s32 $0x10000, s5;
	s8 =	sadd.s32 $0x20000, s5  }
0xc: {  	s9 =	sadd.s32 $0x28000, s5;
	s10 =	sadd.s32 $0x38000, s5;
	s11 =	sadd.s32 $0x48000, s5  }
0xd: {  	s12 =	sadd.s32 $0x50000, s5;
	s14 =	sadd.s32 s0, s1;
	s15 =	smax.u32 s15, $0x1  }
.LBB2_11:
0xe: {  	s25 =	sadd.s32 $0x1, s25  }
0xf: {  	p0 =	sne.s32 s25, s15  }
.Ltmp1:
0x10: {  	_ = 	snop;
	(pc) =	sbr.rel @!p0 .LBB2_12-.Ltmp1, $4  }
0x11: {  	[hbm4b:s14+s3] =	stream.linear.scatter [tilespmem:s23], [sflag:$0x9], $0x3C00, $0x38;
	[tilespmem:$0x13C00] =	vst v63  }
0x12: {  	_ =	swait.ge [sflag:s24], $0x3C00  }
0x13: {  	[sflag:s24] =	ssyncset.done $0x0  }
0x14: {  	[sflag:s24] =	ssyncadd.s32 $0xFFFFC400  }
.LBB2_1:
0x15: {  	[tilespmem:s3], [sflag:$0x1] =	stream.linear.gather [hbm4b:s5+s3], $0x2000, $0x38;
	[tilespmem:$0x13C00] =	vst v63  }
0x16: {  	s0 =	simm.s32 $0x2000  }
0x17: {  	[tilespmem:s0], [sflag:$0x2] =	stream.linear.gather [hbm4b:s6+s3], $0x2000, $0x38;
	[tilespmem:$0x13C00] =	vst v63  }
0x18: {  	s29 =	simm.s32 $0x4000  }
0x19: {  	[tilespmem:s29], [sflag:$0x3] =	stream.linear.gather [hbm4b:s7+s3], $0x2000, $0x38;
	[tilespmem:$0x13C00] =	vst v63  }
0x1a: {  	s30 =	simm.s32 $0x6000  }
0x1b: {  	[tilespmem:s30], [sflag:$0x4] =	stream.linear.gather [hbm4b:s8+s3], $0x2000, $0x38;
	[tilespmem:$0x13C00] =	vst v63  }
0x1c: {  	s31 =	simm.s32 $0x8000  }
0x1d: {  	[tilespmem:s31], [sflag:$0x5] =	stream.linear.gather [hbm4b:s9+s3], $0x2000, $0x38;
	[tilespmem:$0x13C00] =	vst v63  }
0x1e: {  	_ = 	snop  }
0x1f: {  	[tilespmem:s20], [sflag:$0x6] =	stream.linear.gather [hbm4b:s10+s3], $0x2000, $0x38;
	[tilespmem:$0x13C00] =	vst v63  }
.Ltmp2:
0x20: {  	_ = 	snop;
	(pc) =	sbr.rel .LBB2_2-.Ltmp2, $4  }
0x21: {  	_ = 	snop  }
0x22: {  	[tilespmem:s21], [sflag:$0x7] =	stream.linear.gather [hbm4b:s11+s3], $0x2000, $0x38;
	[tilespmem:$0x13C00] =	vst v63  }
0x23: {  	s26 =	simm.s32 $0x0;
	s28 =	simm.s32 $0x0  }
0x24: {  	[tilespmem:s22], [sflag:$0x8] =	stream.linear.gather [hbm4b:s12+s3], $0x2000, $0x38;
	[tilespmem:$0x13C00] =	vst v63  }
.LBB2_10:
0x25: {  	s0 =	sand.u32 $0x3E, s28  }
0x26: {  	p0 =	sne.s32 s0, $0x32  }
0x27: {  	s0 =	smul.u32 @!p0 $0x1100000, s28;
	_ =	sdelay $0x1  }
0x28: {  	s0 =	sadd.s32 @!p0 s13, s0  }
0x29: {  	s0 =	sshrl.u32 @!p0 s0, $0x3  }
0x2a: {  	s1 =	simm.s32 @!p0 $0x0;
	s0 =	sadd.s32 @!p0 s2, s0  }
0x2b: {  	[tilespmem:s30], [sflag:s29] =	stream.linear.gather @!p0 [hbm4b:s0+s1], $0x380, $0x38;
	[tilespmem:$0x13C00] =	vst v63  }
0x2c: {  	s17 =	sadd.s32 @!p0 $0x400, s30;
	s16 =	sadd.s32 @!p0 $0x80, s0  }
0x2d: {  	[tilespmem:s17], [sflag:s29] =	stream.linear.gather @!p0 [hbm4b:s16+s1], $0x380, $0x38;
	[tilespmem:$0x13C00] =	vst v63  }
0x2e: {  	s16 =	sadd.s32 @!p0 $0x100, s0;
	s17 =	sadd.s32 @!p0 $0x800, s30  }
0x2f: {  	[tilespmem:s17], [sflag:s29] =	stream.linear.gather @!p0 [hbm4b:s16+s1], $0x380, $0x38;
	[tilespmem:$0x13C00] =	vst v63  }
0x30: {  	s16 =	sadd.s32 @!p0 $0x180, s0;
	s17 =	sadd.s32 @!p0 $0xC00, s30  }
0x31: {  	[tilespmem:s17], [sflag:s29] =	stream.linear.gather @!p0 [hbm4b:s16+s1], $0x380, $0x38;
	[tilespmem:$0x13C00] =	vst v63  }
0x32: {  	s16 =	sadd.s32 @!p0 $0x200, s0;
	s17 =	sadd.s32 @!p0 $0x1000, s30  }
0x33: {  	[tilespmem:s17], [sflag:s29] =	stream.linear.gather @!p0 [hbm4b:s16+s1], $0x380, $0x38;
	[tilespmem:$0x13C00] =	vst v63  }
0x34: {  	s16 =	sadd.s32 @!p0 $0x280, s0;
	s17 =	sadd.s32 @!p0 $0x1400, s30  }
0x35: {  	[tilespmem:s17], [sflag:s29] =	stream.linear.gather @!p0 [hbm4b:s16+s1], $0x380, $0x38;
	[tilespmem:$0x13C00] =	vst v63  }
0x36: {  	s16 =	sadd.s32 @!p0 $0x300, s0;
	s17 =	sadd.s32 @!p0 $0x1800, s30  }
0x37: {  	[tilespmem:s17], [sflag:s29] =	stream.linear.gather @!p0 [hbm4b:s16+s1], $0x380, $0x38;
	[tilespmem:$0x13C00] =	vst v63  }
0x38: {  	s28 =	sadd.s32 $0x1, s28;
	s0 =	sadd.s32 @!p0 $0x380, s0;
	s16 =	sadd.s32 @!p0 $0x1C00, s30  }
0x39: {  	[tilespmem:s16], [sflag:s29] =	stream.linear.gather @!p0 [hbm4b:s0+s1], $0x380, $0x38;
	[tilespmem:$0x13C00] =	vst v63  }
0x3a: {  	p0 =	sne.s32 s28, $0x3C  }
.Ltmp3:
0x3b: {  	_ = 	snop;
	(pc) =	sbr.rel @!p0 .LBB2_11-.Ltmp3, $2  }
0x3c: {  	_ =	sdelay $0x2  }
0x3d: {  	s26 =	sadd.s32 $0x1, s26  }
.LBB2_2:
0x3e: {  	s0 =	sadd.s32 $0xFFFFFFCE, s28  }
0x3f: {  	s31 =	simm.s32 $0xFF;
	p0 =	slt.u32 s0, $0x8  }
0x40: {  	s31 =	simm.s32 @!p0 $0x7F;
	p0 =	seq.s32 s28, $0x31  }
0x41: {  	s31 =	simm.s32 @p0 $0xF0;
	p0 =	seq.s32 s28, $0x30  }
0x42: {  	s31 =	simm.s32 @p0 $0x82;
	p0 =	seq.s32 s28, $0x2F  }
0x43: {  	s31 =	simm.s32 @p0 $0x24;
	p0 =	seq.s32 s28, $0x2E  }
0x44: {  	p1 =	seq.s32 s28, $0x2D;
	s31 =	simm.s32 @p0 $0x80  }
0x45: {  	p0 =	seq.s32 s28, $0x2C;
	s31 =	simm.s32 @p1 $0x12  }
0x46: {  	p1 =	seq.s32 s28, $0x2B;
	s31 =	simm.s32 @p0 $0x65  }
0x47: {  	p0 =	seq.s32 s28, $0x2A;
	s31 =	simm.s32 @p1 $0xD0  }
0x48: {  	p1 =	seq.s32 s28, $0x29;
	s31 =	simm.s32 @p0 $0x8  }
0x49: {  	p0 =	seq.s32 s28, $0x28;
	s31 =	simm.s32 @p1 $0x68  }
0x4a: {  	p1 =	seq.s32 s28, $0x27;
	s31 =	simm.s32 @p0 $0x82  }
0x4b: {  	p0 =	seq.s32 s28, $0x26;
	s31 =	simm.s32 @p1 $0x24  }
0x4c: {  	p1 =	seq.s32 s28, $0x25;
	s31 =	simm.s32 @p0 $0x4  }
0x4d: {  	p0 =	seq.s32 s28, $0x24;
	s31 =	simm.s32 @p1 $0x89  }
0x4e: {  	p1 =	seq.s32 s28, $0x23;
	s31 =	simm.s32 @p0 $0x97  }
0x4f: {  	p0 =	seq.s32 s28, $0x22;
	s31 =	simm.s32 @p1 $0x40  }
0x50: {  	p1 =	seq.s32 s28, $0x21;
	s31 =	simm.s32 @p0 $0x20  }
0x51: {  	p0 =	seq.s32 s28, $0x20;
	s31 =	simm.s32 @p1 $0x1  }
0x52: {  	p1 =	seq.s32 s28, $0x1F;
	s31 =	simm.s32 @p0 $0xA0  }
0x53: {  	p0 =	seq.s32 s28, $0x1E;
	s31 =	simm.s32 @p1 $0x2  }
0x54: {  	s18 =	sadd.s32 $0xFFFFFFEB, s28;
	p1 =	seq.s32 s28, $0x1D;
	s31 =	simm.s32 @p0 $0x60  }
0x55: {  	p0 =	slt.u32 s18, $0x8;
	s31 =	simm.s32 @p1 $0x1  }
0x56: {  	p1 =	seq.s32 s28, $0x14;
	s31 =	simm.s32 @p0 $0xFF  }
0x57: {  	p0 =	seq.s32 s28, $0x13;
	s31 =	simm.s32 @p1 $0xF0  }
0x58: {  	p1 =	seq.s32 s28, $0x12;
	s31 =	simm.s32 @p0 $0x82  }
0x59: {  	p0 =	seq.s32 s28, $0x11;
	s31 =	simm.s32 @p1 $0x24  }
0x5a: {  	p1 =	seq.s32 s28, $0x10;
	s31 =	simm.s32 @p0 $0x80  }
0x5b: {  	p0 =	seq.s32 s28, $0xF;
	s31 =	simm.s32 @p1 $0x12  }
0x5c: {  	p1 =	seq.s32 s28, $0xE;
	s31 =	simm.s32 @p0 $0x65  }
0x5d: {  	p0 =	seq.s32 s28, $0xD;
	s31 =	simm.s32 @p1 $0xD0  }
0x5e: {  	p1 =	seq.s32 s28, $0xC;
	s31 =	simm.s32 @p0 $0x8  }
0x5f: {  	s19 =	sand.u32 $0x7, s26;
	p0 =	seq.s32 s28, $0xB;
	s31 =	simm.s32 @p1 $0x68  }
0x60: {  	s1 =	sand.u32 $0x7, s28;
	p1 =	seq.s32 s28, $0xA;
	s31 =	simm.s32 @p0 $0x82  }
0x61: {  	s16 =	sshll.u32 s28, $0x7;
	p0 =	seq.s32 s28, $0x9;
	s31 =	simm.s32 @p1 $0x24  }
0x62: {  	s29 =	sadd.s32 $0x1, s1;
	p1 =	seq.s32 s28, $0x8;
	s31 =	simm.s32 @p0 $0x4  }
0x63: {  	s0 =	sshll.u32 s19, $0xD;
	p0 =	seq.s32 s28, $0x7;
	s31 =	simm.s32 @p1 $0x89  }
0x64: {  	s16 =	sand.u32 $0x3FFFFF80, s16;
	p1 =	seq.s32 s28, $0x6;
	s31 =	simm.s32 @p0 $0x97  }
0x65: {  	s30 =	sshll.u32 s1, $0xD;
	p0 =	seq.s32 s28, $0x5;
	s31 =	simm.s32 @p1 $0x40  }
0x66: {  	s1 =	simm.s32 $0x0;
	s31 =	simm.s32 @p0 $0x20;
	p0 =	sgt.u32 s28, $0x39  }
0x67: {  	s17 =	sadd.s32 $0x10000, s16;
	p1 =	seq.s32 s28, $0x4;
	_ =	swait.ge @p0 [sflag:s29], $0x1C00  }
0x68: {  	s16 =	sadd.s32 $0x11E00, s16;
	s31 =	simm.s32 @p1 $0x1;
	[sflag:s29] =	ssyncset.done @p0 $0x0  }
.Ltmp4:
0x69: {  	p1 =	seq.s32 s28, $0x3;
	[sflag:s29] =	ssyncadd.s32 @p0 $0xFFFFE400;
	(pc) =	sbr.rel .LBB2_3-.Ltmp4, $4  }
0x6a: {  	s31 =	simm.s32 @p1 $0xA0;
	p1 =	seq.s32 s28, $0x2;
	_ =	swait.ge @!p0 [sflag:s29], $0x2000  }
0x6b: {  	s31 =	simm.s32 @p1 $0x2;
	p1 =	seq.s32 s28, $0x1;
	[sflag:s29] =	ssyncset.done @!p0 $0x0  }
0x6c: {  	s31 =	simm.s32 @p1 $0x60;
	[sflag:s29] =	ssyncadd.s32 @!p0 $0xFFFFE000;
	p0 =	seq.s32 s28, $0x0  }
0x6d: {  	s0 =	sor.u32 $0x40, s0;
	v0 =	vmov s17;
	v1 =	vmov s16;
	s16 =	simm.s32 $0x0;
	s31 =	simm.s32 @p0 $0x1  }
.LBB2_6:
0x6e: {  	s18 =	sadd.s32 s19, s0;
	v25 =	vld [tilespmem:s17+$0x20]  }
0x6f: {  	v41 =	vld [tilespmem:s18+$0x30]  }
0x70: {  	v4 =	vadd.f32 v21, v4;
	v15 =	vadd.f32 v23, v15;
	v43 =	vld [tilespmem:s18+$0xFFFFFFC0]  }
0x71: {  	v40 =	vmul.f32 v21, v21;
	v16 =	vadd.f32 v24, v16;
	v17 =	vadd.f32 v18, v17;
	v45 =	vld [tilespmem:s18+$0xFFFFFFD0]  }
0x72: {  	v42 =	vmul.f32 v18, v18;
	v14 =	vadd.f32 v19, v14;
	v44 =	vmul.f32 v19, v19;
	v47 =	vld [tilespmem:s18+$0xFFFFFFE0]  }
0x73: {  	v9 =	vadd.f32 v20, v9;
	v46 =	vmul.f32 v20, v20;
	v11 =	vadd.f32 v22, v11;
	v49 =	vld [tilespmem:s18+$0xFFFFFFF0]  }
0x74: {  	v48 =	vmul.f32 v22, v22;
	v51 =	vld [tilespmem:s18+$0x0];
	v12 =	vadd.f32 v40, v12;
	v8 =	vadd.f32 v42, v8  }
0x75: {  	v53 =	vld [tilespmem:s18+$0x10];
	v10 =	vadd.f32 v44, v10;
	v7 =	vadd.f32 v46, v7  }
0x76: {  	v55 =	vld [tilespmem:s18+$0x20];
	v6 =	vadd.f32 v48, v6;
	v13 =	vadd.f32 v25, v13  }
0x77: {  	v50 =	vmul.f32 v25, v25;
	v2 =	vadd.f32 v41, v2;
	v23 =	vmul.f32 v41, v41  }
0x78: {  	v3 =	vadd.f32 v43, v3;
	v52 =	vmul.f32 v43, v43;
	v4 =	vadd.f32 v45, v4  }
0x79: {  	v54 =	vmul.f32 v45, v45;
	v17 =	vadd.f32 v47, v17;
	v14 =	vadd.f32 v49, v14  }
0x7a: {  	v56 =	vmul.f32 v47, v47;
	v9 =	vadd.f32 v51, v9;
	v11 =	vadd.f32 v53, v11  }
0x7b: {  	v57 =	vmul.f32 v49, v49;
	v5 =	vadd.f32 v50, v5;
	v13 =	vadd.f32 v55, v13  }
0x7c: {  	v58 =	vmul.f32 v51, v51;
	v15 =	vadd.f32 v23, v15;
	v16 =	vadd.f32 v52, v16  }
0x7d: {  	v59 =	vmul.f32 v53, v53;
	v12 =	vadd.f32 v54, v12;
	v8 =	vadd.f32 v56, v8  }
0x7e: {  	v10 =	vadd.f32 v57, v10;
	v7 =	vadd.f32 v58, v7  }
0x7f: {  	v60 =	vmul.f32 v55, v55;
	v6 =	vadd.f32 v59, v6;
	v3 =	vadd.f32 v4, v3  }
0x80: {  	v61 =	vadd.f32 v14, v17;
	v9 =	vadd.f32 v11, v9  }
0x81: {  	v5 =	vadd.f32 v60, v5;
	v2 =	vadd.f32 v2, v13  }
0x82: {  	v62 =	vadd.f32 v12, v16;
	v8 =	vadd.f32 v10, v8  }
0x83: {  	v6 =	vadd.f32 v6, v7;
	v5 =	vadd.f32 v15, v5  }
0x84: {  	v3 =	vadd.f32 v61, v3;
	v2 =	vadd.f32 v2, v9  }
0x85: {  	v63 =	vadd.f32 v8, v62;
	v5 =	vadd.f32 v5, v6  }
0x86: {  	v2 =	vadd.f32 v2, v3  }
0x87: {  	s19 =	sshll.u32 s16, $0x4;
	v3 =	vadd.f32 v5, v63  }
0x88: {  	[tilespmem:v0+s19+$0x0 ss:$0x1] =	vst.idx.msk $0xffff, v2  }
0x89: {  	[tilespmem:v1+s19+$0x0 ss:$0x1] =	vst.idx.msk $0xffff, v3  }
.LBB2_7:
0x8a: {  	s16 =	sadd.s32 $0x1, s16  }
0x8b: {  	p1 =	sne.s32 s16, $0x8  }
.Ltmp5:
0x8c: {  	_ = 	snop;
	(pc) =	sbr.rel @!p1 .LBB2_8-.Ltmp5, $2  }
0x8d: {  	_ =	sdelay $0x2  }
0x8e: {  	s0 =	sadd.s32 $0x80, s0  }
.LBB2_3:
0x8f: {  	s17 =	sshrl.u32 s31, s16  }
0x90: {  	s17 =	sand.u32 $0x1, s17  }
0x91: {  	p1 =	seq.s32 s17, $0x0  }
.Ltmp6:
0x92: {  	_ = 	snop;
	(pc) =	sbr.rel @p1 .LBB2_7-.Ltmp6, $2  }
0x93: {  	_ =	sdelay $0x2  }
0x94: {  	v4 =	vimm.f32 $0.0e+00  }
0x95: {  	s17 =	sshra.s32 s1, $0x2  }
0x96: {  	s17 =	sadd.s32 s17, s0  }
0x97: {  	v3 =	vld [tilespmem:s17+$0x30]  }
0x98: {  	v15 =	vimm.f32 $0.0e+00;
	v16 =	vimm.f32 $0.0e+00;
	v5 =	vld [tilespmem:s17+$0xFFFFFFC0]  }
0x99: {  	v17 =	vimm.f32 $0.0e+00;
	v12 =	vimm.f32 $0.0e+00;
	v14 =	vimm.f32 $0.0e+00;
	v21 =	vld [tilespmem:s17+$0xFFFFFFD0]  }
0x9a: {  	v8 =	vimm.f32 $0.0e+00;
	v9 =	vimm.f32 $0.0e+00;
	v10 =	vimm.f32 $0.0e+00;
	v18 =	vld [tilespmem:s17+$0xFFFFFFE0]  }
0x9b: {  	v11 =	vimm.f32 $0.0e+00;
	v7 =	vimm.f32 $0.0e+00;
	v13 =	vimm.f32 $0.0e+00;
	v19 =	vld [tilespmem:s17+$0xFFFFFFF0]  }
0x9c: {  	s18 =	sadd.s32 $0x1000, s1;
	v6 =	vimm.f32 $0.0e+00;
	v20 =	vld [tilespmem:s17+$0x0];
	v2 =	vadd.f32 v3, v4;
	v23 =	vmul.f32 v3, v3  }
0x9d: {  	s19 =	sshra.s32 s18, $0x2;
	s18 =	sadd.s32 $0x1000, s18;
	v22 =	vld [tilespmem:s17+$0x10];
	v3 =	vadd.f32 v5, v4;
	v24 =	vmul.f32 v5, v5;
	v5 =	vimm.f32 $0.0e+00  }
.LBB2_5:
0x9e: {  	p1 =	sne.s32 s18, $0x7000;
	v4 =	vadd.f32 v21, v4;
	v21 =	vmul.f32 v21, v21;
	v25 =	vld [tilespmem:s17+$0x20];
	s17 =	sadd.s32 s19, s0;
	v15 =	vadd.f32 v23, v15  }
0x9f: {  	v16 =	vadd.f32 v24, v16;
	v17 =	vadd.f32 v18, v17;
	v18 =	vmul.f32 v18, v18;
	v23 =	vld [tilespmem:s17+$0x30]  }
0xa0: {  	v14 =	vadd.f32 v19, v14;
	v19 =	vmul.f32 v19, v19;
	v24 =	vld [tilespmem:s17+$0xFFFFFFC0];
	v12 =	vadd.f32 v21, v12  }
.Ltmp7:
0xa1: {  	v9 =	vadd.f32 v20, v9;
	v20 =	vmul.f32 v20, v20;
	v8 =	vadd.f32 v18, v8;
	v21 =	vld [tilespmem:s17+$0xFFFFFFD0];
	(pc) =	sbr.rel @p1 .LBB2_5-.Ltmp7, $4  }
0xa2: {  	v11 =	vadd.f32 v22, v11;
	v22 =	vmul.f32 v22, v22;
	v10 =	vadd.f32 v19, v10;
	v18 =	vld [tilespmem:s17+$0xFFFFFFE0]  }
0xa3: {  	v7 =	vadd.f32 v20, v7;
	v19 =	vld [tilespmem:s17+$0xFFFFFFF0];
	v13 =	vadd.f32 v25, v13;
	v25 =	vmul.f32 v25, v25  }
0xa4: {  	v6 =	vadd.f32 v22, v6;
	v20 =	vld [tilespmem:s17+$0x0];
	v2 =	vadd.f32 v23, v2;
	v23 =	vmul.f32 v23, v23  }
0xa5: {  	s19 =	sshra.s32 s18, $0x2;
	s18 =	sadd.s32 $0x1000, s18;
	v3 =	vadd.f32 v24, v3;
	v24 =	vmul.f32 v24, v24;
	v22 =	vld [tilespmem:s17+$0x10];
	v5 =	vadd.f32 v25, v5  }
.Ltmp8:
0xa6: {  	_ = 	snop;
	(pc) =	sbr.rel .LBB2_6-.Ltmp8, $1  }
0xa7: {  	_ =	sdelay $0x3  }
.LBB2_8:
0xa8: {  	p1 =	sgt.u32 s28, $0x31  }
.Ltmp9:
0xa9: {  	_ = 	snop;
	(pc) =	sbr.rel @p1 .LBB2_10-.Ltmp9, $1  }
0xaa: {  	_ =	sdelay $0x3  }
0xab: {  	s1 =	sadd.s32 $0x8, s28  }
0xac: {  	s0 =	simm.s32 $0x7FE10;
	p1 =	seq.s32 s1, $0x39  }
0xad: {  	s0 =	simm.s32 @!p1 $0x5FE18;
	p1 =	seq.s32 s1, $0x38  }
0xae: {  	s0 =	simm.s32 @p1 $0x7FE08;
	p1 =	seq.s32 s1, $0x37  }
0xaf: {  	s0 =	simm.s32 @p1 $0x7FE00;
	p1 =	seq.s32 s1, $0x36  }
0xb0: {  	s0 =	simm.s32 @p1 $0x7FDF8;
	p1 =	seq.s32 s1, $0x35  }
0xb1: {  	s0 =	simm.s32 @p1 $0x7FDF0;
	p1 =	seq.s32 s1, $0x34  }
0xb2: {  	s0 =	simm.s32 @p1 $0x7FDE8;
	p1 =	seq.s32 s1, $0x33  }
0xb3: {  	s0 =	simm.s32 @p1 $0x7FDE0;
	p1 =	seq.s32 s1, $0x32  }
0xb4: {  	s0 =	simm.s32 @p1 $0x7FDD8;
	p1 =	seq.s32 s1, $0x31  }
0xb5: {  	s0 =	simm.s32 @p1 $0x7C1D0;
	p1 =	seq.s32 s1, $0x30  }
0xb6: {  	s0 =	simm.s32 @p1 $0x60998;
	p1 =	seq.s32 s1, $0x2F  }
0xb7: {  	s0 =	simm.s32 @p1 $0x49190;
	p1 =	seq.s32 s1, $0x2E  }
0xb8: {  	s0 =	simm.s32 @p1 $0x60170;
	p1 =	seq.s32 s1, $0x2D  }
0xb9: {  	s0 =	simm.s32 @p1 $0x44940;
	p1 =	seq.s32 s1, $0x2C  }
0xba: {  	s0 =	simm.s32 @p1 $0x59538;
	p1 =	seq.s32 s1, $0x2B  }
0xbb: {  	s0 =	simm.s32 @p1 $0x74130;
	p1 =	seq.s32 s1, $0x2A  }
0xbc: {  	s0 =	simm.s32 @p1 $0x42120;
	p1 =	seq.s32 s1, $0x29  }
0xbd: {  	s0 =	simm.s32 @p1 $0x5A108;
	p1 =	seq.s32 s1, $0x28  }
0xbe: {  	s0 =	simm.s32 @p1 $0x608B8;
	p1 =	seq.s32 s1, $0x27  }
0xbf: {  	s0 =	simm.s32 @p1 $0x490B0;
	p1 =	seq.s32 s1, $0x26  }
0xc0: {  	s0 =	simm.s32 @p1 $0x41090;
	p1 =	seq.s32 s1, $0x25  }
0xc1: {  	s0 =	simm.s32 @p1 $0x62458;
	p1 =	seq.s32 s1, $0x24  }
0xc2: {  	s0 =	simm.s32 @p1 $0x65C50;
	p1 =	seq.s32 s1, $0x23  }
0xc3: {  	s0 =	simm.s32 @p1 $0x50048;
	p1 =	seq.s32 s1, $0x22  }
0xc4: {  	s0 =	simm.s32 @p1 $0x48038;
	p1 =	seq.s32 s1, $0x21  }
0xc5: {  	s0 =	simm.s32 @p1 $0x40428;
	p1 =	seq.s32 s1, $0x20  }
0xc6: {  	s0 =	simm.s32 @p1 $0x68020;
	p1 =	seq.s32 s1, $0x1F  }
0xc7: {  	s0 =	simm.s32 @p1 $0x40810;
	p1 =	seq.s32 s1, $0x1E  }
0xc8: {  	s0 =	simm.s32 @p1 $0x58008;
	p1 =	seq.s32 s1, $0x1D  }
0xc9: {  	s0 =	simm.s32 @p1 $0x40400;
	p1 =	seq.s32 s1, $0x1C  }
0xca: {  	s0 =	simm.s32 @p1 $0x3FE10;
	p1 =	seq.s32 s1, $0x1B  }
0xcb: {  	s0 =	simm.s32 @p1 $0x3FE08;
	p1 =	seq.s32 s1, $0x1A  }
0xcc: {  	s0 =	simm.s32 @p1 $0x3FE00;
	p1 =	seq.s32 s1, $0x19  }
0xcd: {  	s0 =	simm.s32 @p1 $0x3FDF8;
	p1 =	seq.s32 s1, $0x18  }
0xce: {  	s0 =	simm.s32 @p1 $0x3FDF0;
	p1 =	seq.s32 s1, $0x17  }
0xcf: {  	s0 =	simm.s32 @p1 $0x3FDE8;
	p1 =	seq.s32 s1, $0x16  }
0xd0: {  	s0 =	simm.s32 @p1 $0x3FDE0;
	p1 =	seq.s32 s1, $0x15  }
0xd1: {  	s0 =	simm.s32 @p1 $0x3FDD8;
	p1 =	seq.s32 s1, $0x14  }
0xd2: {  	s0 =	simm.s32 @p1 $0x3C1D0;
	p1 =	seq.s32 s1, $0x13  }
0xd3: {  	s0 =	simm.s32 @p1 $0x20998;
	p1 =	seq.s32 s1, $0x12  }
0xd4: {  	s0 =	simm.s32 @p1 $0x9190;
	p1 =	seq.s32 s1, $0x11  }
0xd5: {  	s0 =	simm.s32 @p1 $0x20170;
	p1 =	seq.s32 s1, $0x10  }
0xd6: {  	s0 =	simm.s32 @p1 $0x4940;
	p1 =	seq.s32 s1, $0xF  }
0xd7: {  	s0 =	simm.s32 @p1 $0x19538;
	p1 =	seq.s32 s1, $0xE  }
0xd8: {  	s0 =	simm.s32 @p1 $0x34130;
	p1 =	seq.s32 s1, $0xD  }
0xd9: {  	s0 =	simm.s32 @p1 $0x2120;
	p1 =	seq.s32 s1, $0xC  }
0xda: {  	s0 =	simm.s32 @p1 $0x1A108;
	p1 =	seq.s32 s1, $0xB  }
0xdb: {  	s0 =	simm.s32 @p1 $0x208B8;
	p1 =	seq.s32 s1, $0xA  }
0xdc: {  	s0 =	simm.s32 @p1 $0x90B0;
	p1 =	seq.s32 s1, $0x9  }
0xdd: {  	s0 =	simm.s32 @p1 $0x1090  }
0xde: {  	s0 =	simm.s32 @p0 $0x22458  }
0xdf: {  	s31 =	sshrl.u32 s0, $0x12  }
0xe0: {  	s0 =	sshll.u32 s0, $0xF;
	s1 =	smul.u32 $0x1100000, s31  }
0xe1: {  	s0 =	sand.u32 $0x1FC0000, s0  }
.Ltmp10:
0xe2: {  	s0 =	sadd.s32 s0, s1;
	(pc) =	sbr.rel .LBB2_10-.Ltmp10, $4  }
0xe3: {  	s0 =	sor.u32 s4, s0  }
0xe4: {  	s0 =	sshrl.u32 s0, $0x3  }
0xe5: {  	s0 =	sadd.s32 s2, s0  }
0xe6: {  	[tilespmem:s30], [sflag:s29] =	stream.linear.gather [hbm4b:s0+s3], $0x2000, $0x38;
	[tilespmem:$0x13C00] =	vst v63  }
.LBB2_12:
0xe7: {  	_ =	sfence.sel $0x180000  }
0xe8: {  	[bflag:$0x0] =	sbarrier.arrive $0xFFFF  }
0xe9: {  	_ =	strace $0x90000047  }
0xea: {  	s0 =	stileid.u32;
	[bflag:$0x2] =	sbarrier.arrive $0xFFFF  }
0xeb: {  	p0 =	sne.s32 s0, $0x0;
	s0 =	rddreg [dreg:$0x2]  }
0xec: {  	s0 =	sadd.s32 @!p0 $0x100000, s0  }
0xed: {  	[sflag:s0] =	ssyncadd.tile.s32 @!p0 $0x1;
	_ =	shalt  }
.Lfunc_end2:
_tile_overlayer_lowered:
.L_overlay_start_2:
0xee: {  	(tag) =	ssettag $0x2  }
0xef: {  	s0 =	rddreg [dreg:$0x0];
	s2 =	stileid.u32  }
0xf0: {  	s1 =	rddreg [dreg:$0x1];
	p0 =	sne.s32 s2, $0x0  }
0xf1: {  	s3 =	rddreg [dreg:$0x2];
	[bflag:$0x3] =	sbarrier.arrive $0xFFFF;
	s2 =	simm.s32 @!p0 $0x1C09  }
0xf2: {  	[timem:s3], [sflag:s2] =	dma.local @!p0 [hbm:s0], s1  }
0xf3: {  	s0 =	simm.s32 @!p0 $0x9  }
0xf4: {  	_ =	swait.ge @!p0 [sflag:s0], s1  }
0xf5: {  	s1 =	ssub.s32 @!p0 $0x0, s1;
	[sflag:s0] =	ssyncset.done @!p0 $0x0  }
0xf6: {  	[sflag:s0] =	ssyncadd.s32 @!p0 s1  }
0xf7: {  	[bflag:$0x3] =	sbarrier.arrive $0xFFFF  }
0xf8: {  	_ =	shalt  }

</sc_bundles>
